<compile_context>
chip_gen: v7x
topology: tpu7x:2x2x1
jax: 0.10.2.dev20260603
libtpu: 0.0.44.dev20260713+nightly
codegen_flags: <defaults>
</compile_context>

<pallas_src>
import jax
import jax.numpy as jnp
from jax import lax
from jax.experimental import pallas as pl
from jax.experimental.pallas import tpu as pltpu
from jax.experimental.pallas import tpu_sc as plsc

STATE_SIZE = 6
HIDDEN = 256
SEQ = 200
PAD_TOKEN = 1
EPS = 1e-12

NC = 2
NS = 16
NW = NC * NS
CHUNK = 80
PREP_BB = 256
REP = 8


def _combo_body(game_ref, pos_ref, gamma_ref, beta_ref, out_ref):
    x = game_ref[...][:, None, :] + pos_ref[...][None, :, :]
    mean = jnp.mean(x, axis=-1, keepdims=True)
    xc = x - mean
    var = jnp.mean(xc * xc, axis=-1, keepdims=True)
    y = xc * jax.lax.rsqrt(var + EPS)
    out_ref[...] = (y * gamma_ref[...][None, :, :] + beta_ref[...][None, :, :])[None]


def _idx_body(ids_ref, idx_ref):
    ids = ids_ref[...]
    s = lax.broadcasted_iota(jnp.int32, ids.shape, 1)
    row = lax.broadcasted_iota(jnp.int32, ids.shape, 0) + pl.program_id(0) * PREP_BB
    rep = (row // 128) % REP
    idx_ref[...] = ids * SEQ + s + rep * (STATE_SIZE * SEQ)


def _mask_body(ids_ref, mask_ref):
    mask_ref[...] = (ids_ref[...] != PAD_TOKEN).astype(jnp.int32)


def _sc_gather_body(combo_hbm, idx_hbm, out_hbm, idx_v,
                    buf0, buf1, buf2, buf3,
                    gsem0, gsem1, gsem2, gsem3,
                    wsem0, wsem1, wsem2, wsem3):
    n_chunks = idx_v.shape[0]
    rows_per_w = n_chunks * CHUNK
    wid = lax.axis_index("s") * NC + lax.axis_index("c")
    rows_base = wid * rows_per_w
    bufs = (buf0, buf1, buf2, buf3)
    gsems = (gsem0, gsem1, gsem2, gsem3)
    wsems = (wsem0, wsem1, wsem2, wsem3)

    pltpu.sync_copy(idx_hbm.at[wid], idx_v)

    phase = (wid // 8) * (n_chunks // 4)

    def _eff(j):
        return lax.rem(j + phase, n_chunks)

    pltpu.async_copy(combo_hbm.at[idx_v.at[_eff(0)]], bufs[0], gsems[0])
    pltpu.async_copy(combo_hbm.at[idx_v.at[_eff(1)]], bufs[1], gsems[1])

    @pl.loop(0, n_chunks, step=4)
    def _chunks(jj):
        for b in range(4):
            j = jj + b
            cur = b
            nxt = (b + 2) % 4
            je = _eff(j)
            pltpu.make_async_copy(combo_hbm.at[idx_v.at[je]], bufs[cur], gsems[cur]).wait()
            pltpu.async_copy(bufs[cur], out_hbm.at[pl.ds(rows_base + je * CHUNK, CHUNK)],
                             wsems[cur])

            @pl.when(j >= 2)
            def _wait_prev_write():
                pltpu.make_async_copy(
                    bufs[nxt], out_hbm.at[pl.ds(rows_base + _eff(j - 2) * CHUNK, CHUNK)],
                    wsems[nxt]).wait()

            @pl.when(j + 2 < n_chunks)
            def _start_next():
                pltpu.async_copy(combo_hbm.at[idx_v.at[_eff(j + 2)]], bufs[nxt], gsems[nxt])

    for b in (2, 3):
        pltpu.make_async_copy(
            bufs[b],
            out_hbm.at[pl.ds(rows_base + _eff(n_chunks - 4 + b) * CHUNK, CHUNK)],
            wsems[b]).wait()


def kernel(input_ids, game_state_table, position_table, ln_gamma, ln_beta):
    batch, seq = input_ids.shape
    ids = input_ids.astype(jnp.int32)
    total_rows = batch * seq
    n_chunks = total_rows // (NW * CHUNK)

    combo = pl.pallas_call(
        _combo_body,
        grid=(REP,),
        out_shape=jax.ShapeDtypeStruct((REP, STATE_SIZE, SEQ, HIDDEN), jnp.float32),
        in_specs=[
            pl.BlockSpec((STATE_SIZE, HIDDEN), lambda r: (0, 0)),
            pl.BlockSpec((SEQ, HIDDEN), lambda r: (0, 0)),
            pl.BlockSpec((1, HIDDEN), lambda r: (0, 0)),
            pl.BlockSpec((1, HIDDEN), lambda r: (0, 0)),
        ],
        out_specs=pl.BlockSpec((1, STATE_SIZE, SEQ, HIDDEN), lambda r: (r, 0, 0, 0)),
    )(
        game_state_table,
        position_table[:SEQ],
        ln_gamma.reshape(1, HIDDEN),
        ln_beta.reshape(1, HIDDEN),
    )
    combo_flat = combo.reshape(REP * STATE_SIZE * SEQ, HIDDEN)

    flat_idx = pl.pallas_call(
        _idx_body,
        grid=(batch // PREP_BB,),
        out_shape=jax.ShapeDtypeStruct((batch, seq), jnp.int32),
        in_specs=[pl.BlockSpec((PREP_BB, seq), lambda i: (i, 0))],
        out_specs=pl.BlockSpec((PREP_BB, seq), lambda i: (i, 0)),
    )(ids)

    idx3 = flat_idx.reshape(NW, n_chunks, CHUNK)

    sc_gather = pl.kernel(
        _sc_gather_body,
        out_type=jax.ShapeDtypeStruct((total_rows, HIDDEN), jnp.float32),
        mesh=plsc.VectorSubcoreMesh(core_axis_name="c", subcore_axis_name="s"),
        scratch_types=(
            [pltpu.VMEM((n_chunks, CHUNK), jnp.int32)]
            + [pltpu.VMEM((CHUNK, HIDDEN), jnp.float32)] * 4
            + [pltpu.SemaphoreType.DMA] * 8
        ),
    )
    out_flat = sc_gather(combo_flat, idx3)

    mask = pl.pallas_call(
        _mask_body,
        grid=(batch // PREP_BB,),
        out_shape=jax.ShapeDtypeStruct((batch, seq), jnp.int32),
        in_specs=[pl.BlockSpec((PREP_BB, seq), lambda i: (i, 0))],
        out_specs=pl.BlockSpec((PREP_BB, seq), lambda i: (i, 0)),
    )(ids)

    return out_flat.reshape(batch, seq, HIDDEN), mask

# --- scband reference (transcript-rebuilt; emitter-appended) ---
"""Pipeline reference for scband-player-embeddings-56453050139161 (READ-ONLY COPY).

The authoritative reference and input builder live on the scoring server;
editing this copy changes nothing except your own understanding.
"""

import jax, jax.numpy as jnp
import numpy as np

STATE_SIZE = 6
HIDDEN = 256
MAX_GAME_SIZE = 201
BATCH = 4096
SEQ = 200
PAD_TOKEN = 1
EPS = 1e-12


def setup_inputs(seed: int = 0) -> dict:
    key = jax.random.key(seed)
    k1, k2, k3 = jax.random.split(key, 3)
    input_ids = jax.random.randint(k1, (BATCH, SEQ), 0, STATE_SIZE, dtype=jnp.int64 if jax.config.jax_enable_x64 else jnp.int32)
    game_state_table = jax.random.normal(k2, (STATE_SIZE, HIDDEN), dtype=jnp.float32) * 0.02
    position_table = jax.random.normal(k3, (MAX_GAME_SIZE, HIDDEN), dtype=jnp.float32) * 0.02
    ln_gamma = jnp.ones((HIDDEN,), dtype=jnp.float32)
    ln_beta = jnp.zeros((HIDDEN,), dtype=jnp.float32)
    return {
        'input_ids': input_ids,
        'game_state_table': game_state_table,
        'position_table': position_table,
        'ln_gamma': ln_gamma,
        'ln_beta': ln_beta,
    }


def _layer_norm(x, gamma, beta, eps=EPS):
    mean = jnp.mean(x, axis=-1, keepdims=True)
    var = jnp.mean(jnp.square(x - mean), axis=-1, keepdims=True)
    xn = (x - mean) / jnp.sqrt(var + eps)
    return xn * gamma + beta


def reference(input_ids, game_state_table, position_table, ln_gamma, ln_beta):
    seq_length = input_ids.shape[1]
    position_ids = jnp.arange(seq_length)  # position_ids[:, 0:seq_length]
    embeddings = jnp.take(game_state_table, input_ids, axis=0)  # [B, S, H]
    position_embeddings = jnp.take(position_table, position_ids, axis=0)  # [S, H]
    embeddings = embeddings + position_embeddings[None, :, :]
    embeddings = _layer_norm(embeddings, ln_gamma, ln_beta)
    # dropout is identity in eval mode
    attention_mask = (input_ids != PAD_TOKEN).astype(jnp.int32)
    return embeddings, attention_mask

if __name__ == "__main__":
    import jax
    _d = setup_inputs()
    print(jax.jit(kernel)(*tuple(_d.values())))

</pallas_src>

<mosaic_0001>
#map = affine_map<(d0, d1) -> (0, 0)>
#map1 = affine_map<(d0, d1) -> (0, 0, 0)>
module attributes {stable_mosaic.version = 14 : i64} {
  func.func @_sc_gather_body(%arg0: i32, %arg1: i32, %arg2: memref<9600x256xf32, #tpu.memory_space<hbm>>, %arg3: memref<32x320x80xi32, #tpu.memory_space<hbm>>, %arg4: memref<819200x256xf32, #tpu.memory_space<hbm>>, %arg5: memref<320x80xi32, #tpu.memory_space<vmem>>, %arg6: memref<80x256xf32, #tpu.memory_space<vmem>>, %arg7: memref<80x256xf32, #tpu.memory_space<vmem>>, %arg8: memref<80x256xf32, #tpu.memory_space<vmem>>, %arg9: memref<80x256xf32, #tpu.memory_space<vmem>>, %arg10: memref<!tpu.dma_semaphore, #tpu.memory_space<semaphore_mem>>, %arg11: memref<!tpu.dma_semaphore, #tpu.memory_space<semaphore_mem>>, %arg12: memref<!tpu.dma_semaphore, #tpu.memory_space<semaphore_mem>>, %arg13: memref<!tpu.dma_semaphore, #tpu.memory_space<semaphore_mem>>, %arg14: memref<!tpu.dma_semaphore, #tpu.memory_space<semaphore_mem>>, %arg15: memref<!tpu.dma_semaphore, #tpu.memory_space<semaphore_mem>>, %arg16: memref<!tpu.dma_semaphore, #tpu.memory_space<semaphore_mem>>, %arg17: memref<!tpu.dma_semaphore, #tpu.memory_space<semaphore_mem>>) attributes {dimension_semantics = [#tpu.dimension_semantics<core_parallel>, #tpu.dimension_semantics<subcore_parallel>], iteration_bounds = array<i64: 2, 16>, scalar_prefetch = 0 : i64, scratch_operands = 13 : i64, tpu.core_type = #tpu.core_type<sc_vector_subcore>, window_params = [{transform_indices = #map}, {transform_indices = #map1}, {transform_indices = #map}]} {
    %mul3A = arith.constant 2 : i32
    %mul3A_0 = arith.muli %arg1, %mul3A : i32
    %add3A = arith.addi %mul3A_0, %arg0 : i32
    %mul3A_1 = arith.constant 25600 : i32
    %mul3A_2 = arith.muli %add3A, %mul3A_1 : i32
    "tpu.region"() ({
      %run_scoped3A = tpu.sem_alloc : memref<!tpu.dma_semaphore, #tpu.memory_space<semaphore_mem>>
      %dma_start3A_65 = arith.constant 0 : i32
      %dma_start3A_66 = arith.constant 0 : i32
      %dma_start3A_67 = tpu.memref_slice %arg3[%add3A, %dma_start3A_65, %dma_start3A_66] : memref<32x320x80xi32, #tpu.memory_space<hbm>> -> memref<1x320x80xi32, #tpu.memory_space<hbm>>
      %dma_start3A_68 = tpu.memref_squeeze %dma_start3A_67 : memref<1x320x80xi32, #tpu.memory_space<hbm>> -> memref<320x80xi32, #tpu.memory_space<hbm>>
      %dma_start3A_69 = arith.constant 0 : i32
      %dma_start3A_70 = arith.constant 0 : i32
      %dma_start3A_71 = tpu.memref_slice %arg3[%add3A, %dma_start3A_69, %dma_start3A_70] : memref<32x320x80xi32, #tpu.memory_space<hbm>> -> memref<1x320x80xi32, #tpu.memory_space<hbm>>
      %dma_start3A_72 = tpu.memref_squeeze %dma_start3A_71 : memref<1x320x80xi32, #tpu.memory_space<hbm>> -> memref<320x80xi32, #tpu.memory_space<hbm>>
      tpu.enqueue_dma source(%dma_start3A_72 : memref<320x80xi32, #tpu.memory_space<hbm>>) target(%arg5 : memref<320x80xi32, #tpu.memory_space<vmem>>) target_semaphore(%run_scoped3A : memref<!tpu.dma_semaphore, #tpu.memory_space<semaphore_mem>>)
      %dma_wait3A_73 = arith.constant 0 : i32
      %dma_wait3A_74 = arith.constant 0 : i32
      %dma_wait3A_75 = tpu.memref_slice %arg3[%add3A, %dma_wait3A_73, %dma_wait3A_74] : memref<32x320x80xi32, #tpu.memory_space<hbm>> -> memref<1x320x80xi32, #tpu.memory_space<hbm>>
      %dma_wait3A_76 = tpu.memref_squeeze %dma_wait3A_75 : memref<1x320x80xi32, #tpu.memory_space<hbm>> -> memref<320x80xi32, #tpu.memory_space<hbm>>
      %dma_wait3A_77 = arith.constant 0 : i32
      %dma_wait3A_78 = arith.constant 0 : i32
      %dma_wait3A_79 = tpu.memref_slice %arg3[%add3A, %dma_wait3A_77, %dma_wait3A_78] : memref<32x320x80xi32, #tpu.memory_space<hbm>> -> memref<1x320x80xi32, #tpu.memory_space<hbm>>
      %dma_wait3A_80 = tpu.memref_squeeze %dma_wait3A_79 : memref<1x320x80xi32, #tpu.memory_space<hbm>> -> memref<320x80xi32, #tpu.memory_space<hbm>>
      tpu.wait_dma2 semaphore(%run_scoped3A : memref<!tpu.dma_semaphore, #tpu.memory_space<semaphore_mem>>) src(%dma_wait3A_80 : memref<320x80xi32, #tpu.memory_space<hbm>>) dst(%arg5 : memref<320x80xi32, #tpu.memory_space<vmem>>)
      tpu.yield
    }) : () -> ()
    %jit3A = arith.constant 8 : i32
    %div3A = arith.divsi %add3A, %jit3A : i32
    %sign3A = arith.constant 0 : i32
    %sign3A_3 = arith.cmpi sgt, %add3A, %sign3A : i32
    %sign3A_4 = arith.extui %sign3A_3 : i1 to i32
    %sign3A_5 = arith.constant 0 : i32
    %sign3A_6 = arith.cmpi slt, %add3A, %sign3A_5 : i32
    %sign3A_7 = arith.extui %sign3A_6 : i1 to i32
    %sign3A_8 = arith.subi %sign3A_4, %sign3A_7 : i32
    %sign3A_9 = arith.constant 0 : i32
    %sign3A_10 = arith.cmpi sgt, %jit3A, %sign3A_9 : i32
    %sign3A_11 = arith.extui %sign3A_10 : i1 to i32
    %sign3A_12 = arith.constant 0 : i32
    %sign3A_13 = arith.cmpi slt, %jit3A, %sign3A_12 : i32
    %sign3A_14 = arith.extui %sign3A_13 : i1 to i32
    %sign3A_15 = arith.subi %sign3A_11, %sign3A_14 : i32
    %ne3A = arith.cmpi ne, %sign3A_8, %sign3A_15 : i32
    %rem3A = arith.remsi %add3A, %jit3A : i32
    %ne3A_16 = arith.constant 0 : i32
    %ne3A_17 = arith.cmpi ne, %rem3A, %ne3A_16 : i32
    %and3A = arith.andi %ne3A, %ne3A_17 : i1
    %sub3A = arith.constant 1 : i32
    %sub3A_18 = arith.subi %div3A, %sub3A : i32
    %select_n3A = arith.select %and3A, %sub3A_18, %div3A : i32
    %mul3A_19 = arith.constant 80 : i32
    %mul3A_20 = arith.muli %select_n3A, %mul3A_19 : i32
    %add3A_21 = arith.constant 0 : i32
    %add3A_22 = arith.addi %add3A_21, %mul3A_20 : i32
    %rem3A_23 = arith.constant 320 : i32
    %rem3A_24 = arith.remsi %add3A_22, %rem3A_23 : i32
    %dma_start3A = arith.constant 0 : i32
    %dma_start3A_25 = tpu.memref_slice %arg5[%rem3A_24, %dma_start3A] : memref<320x80xi32, #tpu.memory_space<vmem>> -> memref<1x80xi32, #tpu.memory_space<vmem>>
    %dma_start3A_26 = tpu.memref_squeeze %dma_start3A_25 : memref<1x80xi32, #tpu.memory_space<vmem>> -> memref<80xi32, #tpu.memory_space<vmem>>
    %dma_start3A_27 = arith.constant 0 : i32
    %dma_start3A_28 = arith.constant 0 : i32
    %dma_start3A_29 = tpu.memref_slice %arg2[%dma_start3A_27, %dma_start3A_28] : memref<9600x256xf32, #tpu.memory_space<hbm>> -> memref<9600x256xf32, #tpu.memory_space<hbm>>
    tpu.enqueue_indirect_dma source(%dma_start3A_29 : memref<9600x256xf32, #tpu.memory_space<hbm>>) target(%arg6 : memref<80x256xf32, #tpu.memory_space<vmem>>) offsets(%dma_start3A_26 : memref<80xi32, #tpu.memory_space<vmem>>) semaphore(%arg10 : memref<!tpu.dma_semaphore, #tpu.memory_space<semaphore_mem>>)
    %add3A_30 = arith.constant 1 : i32
    %add3A_31 = arith.addi %add3A_30, %mul3A_20 : i32
    %rem3A_32 = arith.constant 320 : i32
    %rem3A_33 = arith.remsi %add3A_31, %rem3A_32 : i32
    %dma_start3A_34 = arith.constant 0 : i32
    %dma_start3A_35 = tpu.memref_slice %arg5[%rem3A_33, %dma_start3A_34] : memref<320x80xi32, #tpu.memory_space<vmem>> -> memref<1x80xi32, #tpu.memory_space<vmem>>
    %dma_start3A_36 = tpu.memref_squeeze %dma_start3A_35 : memref<1x80xi32, #tpu.memory_space<vmem>> -> memref<80xi32, #tpu.memory_space<vmem>>
    %dma_start3A_37 = arith.constant 0 : i32
    %dma_start3A_38 = arith.constant 0 : i32
    %dma_start3A_39 = tpu.memref_slice %arg2[%dma_start3A_37, %dma_start3A_38] : memref<9600x256xf32, #tpu.memory_space<hbm>> -> memref<9600x256xf32, #tpu.memory_space<hbm>>
    tpu.enqueue_indirect_dma source(%dma_start3A_39 : memref<9600x256xf32, #tpu.memory_space<hbm>>) target(%arg7 : memref<80x256xf32, #tpu.memory_space<vmem>>) offsets(%dma_start3A_36 : memref<80xi32, #tpu.memory_space<vmem>>) semaphore(%arg11 : memref<!tpu.dma_semaphore, #tpu.memory_space<semaphore_mem>>)
    %scan3A = arith.constant 0 : i32
    %scan3A_40 = arith.constant 80 : i32
    %scan3A_41 = arith.addi %scan3A, %scan3A_40 : i32
    %scan3A_42 = arith.constant 1 : i32
    scf.for %scan3A_65 = %scan3A to %scan3A_41 step %scan3A_42  : i32 {
      %mul3A_66 = arith.constant 4 : i32
      %mul3A_67 = arith.muli %scan3A_65, %mul3A_66 : i32
      %add3A_68 = arith.constant 0 : i32
      %add3A_69 = arith.addi %add3A_68, %mul3A_67 : i32
      %add3A_70 = arith.constant 0 : i32
      %add3A_71 = arith.addi %add3A_69, %add3A_70 : i32
      %add3A_72 = arith.addi %add3A_71, %mul3A_20 : i32
      %rem3A_73 = arith.constant 320 : i32
      %rem3A_74 = arith.remsi %add3A_72, %rem3A_73 : i32
      %dma_wait3A_75 = arith.constant 0 : i32
      %dma_wait3A_76 = tpu.memref_slice %arg5[%rem3A_74, %dma_wait3A_75] : memref<320x80xi32, #tpu.memory_space<vmem>> -> memref<1x80xi32, #tpu.memory_space<vmem>>
      %dma_wait3A_77 = tpu.memref_squeeze %dma_wait3A_76 : memref<1x80xi32, #tpu.memory_space<vmem>> -> memref<80xi32, #tpu.memory_space<vmem>>
      %dma_wait3A_78 = arith.constant 0 : i32
      %dma_wait3A_79 = arith.constant 0 : i32
      %dma_wait3A_80 = tpu.memref_slice %arg2[%dma_wait3A_78, %dma_wait3A_79] : memref<9600x256xf32, #tpu.memory_space<hbm>> -> memref<9600x256xf32, #tpu.memory_space<hbm>>
      tpu.wait_indirect_dma semaphore(%arg10 : memref<!tpu.dma_semaphore, #tpu.memory_space<semaphore_mem>>) src(%dma_wait3A_80 : memref<9600x256xf32, #tpu.memory_space<hbm>>) dst(%arg6 : memref<80x256xf32, #tpu.memory_space<vmem>>)
      %mul3A_81 = arith.constant 80 : i32
      %mul3A_82 = arith.muli %rem3A_74, %mul3A_81 : i32
      %add3A_83 = arith.addi %mul3A_2, %mul3A_82 : i32
      %dma_start3A_84 = arith.constant 0 : i32
      %dma_start3A_85 = tpu.memref_slice %arg4[%add3A_83, %dma_start3A_84] : memref<819200x256xf32, #tpu.memory_space<hbm>> -> memref<80x256xf32, #tpu.memory_space<hbm>>
      %dma_start3A_86 = arith.constant 0 : i32
      %dma_start3A_87 = tpu.memref_slice %arg4[%add3A_83, %dma_start3A_86] : memref<819200x256xf32, #tpu.memory_space<hbm>> -> memref<80x256xf32, #tpu.memory_space<hbm>>
      tpu.enqueue_dma source(%arg6 : memref<80x256xf32, #tpu.memory_space<vmem>>) target(%dma_start3A_87 : memref<80x256xf32, #tpu.memory_space<hbm>>) target_semaphore(%arg14 : memref<!tpu.dma_semaphore, #tpu.memory_space<semaphore_mem>>)
      %ge3A = arith.constant 2 : i32
      %ge3A_88 = arith.cmpi sge, %add3A_71, %ge3A : i32
      %convert_element_type3A = arith.extui %ge3A_88 : i1 to i32
      %cond3A = arith.constant 0 : i32
      %cond3A_89 = arith.cmpi ne, %convert_element_type3A, %cond3A : i32
      scf.if %cond3A_89 {
        %sub3A_186 = arith.constant 2 : i32
        %sub3A_187 = arith.subi %add3A_71, %sub3A_186 : i32
        %add3A_188 = arith.addi %sub3A_187, %mul3A_20 : i32
        %rem3A_189 = arith.constant 320 : i32
        %rem3A_190 = arith.remsi %add3A_188, %rem3A_189 : i32
        %mul3A_191 = arith.constant 80 : i32
        %mul3A_192 = arith.muli %rem3A_190, %mul3A_191 : i32
        %add3A_193 = arith.addi %mul3A_2, %mul3A_192 : i32
        %dma_wait3A_194 = arith.constant 0 : i32
        %dma_wait3A_195 = tpu.memref_slice %arg4[%add3A_193, %dma_wait3A_194] : memref<819200x256xf32, #tpu.memory_space<hbm>> -> memref<80x256xf32, #tpu.memory_space<hbm>>
        %dma_wait3A_196 = arith.constant 0 : i32
        %dma_wait3A_197 = tpu.memref_slice %arg4[%add3A_193, %dma_wait3A_196] : memref<819200x256xf32, #tpu.memory_space<hbm>> -> memref<80x256xf32, #tpu.memory_space<hbm>>
        tpu.wait_dma2 semaphore(%arg16 : memref<!tpu.dma_semaphore, #tpu.memory_space<semaphore_mem>>) src(%arg8 : memref<80x256xf32, #tpu.memory_space<vmem>>) dst(%dma_wait3A_197 : memref<80x256xf32, #tpu.memory_space<hbm>>)
      } else {
      }
      %add3A_90 = arith.constant 2 : i32
      %add3A_91 = arith.addi %add3A_71, %add3A_90 : i32
      %lt3A = arith.constant 320 : i32
      %lt3A_92 = arith.cmpi slt, %add3A_91, %lt3A : i32
      %convert_element_type3A_93 = arith.extui %lt3A_92 : i1 to i32
      %cond3A_94 = arith.constant 0 : i32
      %cond3A_95 = arith.cmpi ne, %convert_element_type3A_93, %cond3A_94 : i32
      scf.if %cond3A_95 {
        %add3A_186 = arith.constant 2 : i32
        %add3A_187 = arith.addi %add3A_71, %add3A_186 : i32
        %add3A_188 = arith.addi %add3A_187, %mul3A_20 : i32
        %rem3A_189 = arith.constant 320 : i32
        %rem3A_190 = arith.remsi %add3A_188, %rem3A_189 : i32
        %dma_start3A_191 = arith.constant 0 : i32
        %dma_start3A_192 = tpu.memref_slice %arg5[%rem3A_190, %dma_start3A_191] : memref<320x80xi32, #tpu.memory_space<vmem>> -> memref<1x80xi32, #tpu.memory_space<vmem>>
        %dma_start3A_193 = tpu.memref_squeeze %dma_start3A_192 : memref<1x80xi32, #tpu.memory_space<vmem>> -> memref<80xi32, #tpu.memory_space<vmem>>
        %dma_start3A_194 = arith.constant 0 : i32
        %dma_start3A_195 = arith.constant 0 : i32
        %dma_start3A_196 = tpu.memref_slice %arg2[%dma_start3A_194, %dma_start3A_195] : memref<9600x256xf32, #tpu.memory_space<hbm>> -> memref<9600x256xf32, #tpu.memory_space<hbm>>
        tpu.enqueue_indirect_dma source(%dma_start3A_196 : memref<9600x256xf32, #tpu.memory_space<hbm>>) target(%arg8 : memref<80x256xf32, #tpu.memory_space<vmem>>) offsets(%dma_start3A_193 : memref<80xi32, #tpu.memory_space<vmem>>) semaphore(%arg12 : memref<!tpu.dma_semaphore, #tpu.memory_space<semaphore_mem>>)
      } else {
      }
      %add3A_96 = arith.constant 1 : i32
      %add3A_97 = arith.addi %add3A_69, %add3A_96 : i32
      %add3A_98 = arith.addi %add3A_97, %mul3A_20 : i32
      %rem3A_99 = arith.constant 320 : i32
      %rem3A_100 = arith.remsi %add3A_98, %rem3A_99 : i32
      %dma_wait3A_101 = arith.constant 0 : i32
      %dma_wait3A_102 = tpu.memref_slice %arg5[%rem3A_100, %dma_wait3A_101] : memref<320x80xi32, #tpu.memory_space<vmem>> -> memref<1x80xi32, #tpu.memory_space<vmem>>
      %dma_wait3A_103 = tpu.memref_squeeze %dma_wait3A_102 : memref<1x80xi32, #tpu.memory_space<vmem>> -> memref<80xi32, #tpu.memory_space<vmem>>
      %dma_wait3A_104 = arith.constant 0 : i32
      %dma_wait3A_105 = arith.constant 0 : i32
      %dma_wait3A_106 = tpu.memref_slice %arg2[%dma_wait3A_104, %dma_wait3A_105] : memref<9600x256xf32, #tpu.memory_space<hbm>> -> memref<9600x256xf32, #tpu.memory_space<hbm>>
      tpu.wait_indirect_dma semaphore(%arg11 : memref<!tpu.dma_semaphore, #tpu.memory_space<semaphore_mem>>) src(%dma_wait3A_106 : memref<9600x256xf32, #tpu.memory_space<hbm>>) dst(%arg7 : memref<80x256xf32, #tpu.memory_space<vmem>>)
      %mul3A_107 = arith.constant 80 : i32
      %mul3A_108 = arith.muli %rem3A_100, %mul3A_107 : i32
      %add3A_109 = arith.addi %mul3A_2, %mul3A_108 : i32
      %dma_start3A_110 = arith.constant 0 : i32
      %dma_start3A_111 = tpu.memref_slice %arg4[%add3A_109, %dma_start3A_110] : memref<819200x256xf32, #tpu.memory_space<hbm>> -> memref<80x256xf32, #tpu.memory_space<hbm>>
      %dma_start3A_112 = arith.constant 0 : i32
      %dma_start3A_113 = tpu.memref_slice %arg4[%add3A_109, %dma_start3A_112] : memref<819200x256xf32, #tpu.memory_space<hbm>> -> memref<80x256xf32, #tpu.memory_space<hbm>>
      tpu.enqueue_dma source(%arg7 : memref<80x256xf32, #tpu.memory_space<vmem>>) target(%dma_start3A_113 : memref<80x256xf32, #tpu.memory_space<hbm>>) target_semaphore(%arg15 : memref<!tpu.dma_semaphore, #tpu.memory_space<semaphore_mem>>)
      %ge3A_114 = arith.constant 2 : i32
      %ge3A_115 = arith.cmpi sge, %add3A_97, %ge3A_114 : i32
      %convert_element_type3A_116 = arith.extui %ge3A_115 : i1 to i32
      %cond3A_117 = arith.constant 0 : i32
      %cond3A_118 = arith.cmpi ne, %convert_element_type3A_116, %cond3A_117 : i32
      scf.if %cond3A_118 {
        %sub3A_186 = arith.constant 2 : i32
        %sub3A_187 = arith.subi %add3A_97, %sub3A_186 : i32
        %add3A_188 = arith.addi %sub3A_187, %mul3A_20 : i32
        %rem3A_189 = arith.constant 320 : i32
        %rem3A_190 = arith.remsi %add3A_188, %rem3A_189 : i32
        %mul3A_191 = arith.constant 80 : i32
        %mul3A_192 = arith.muli %rem3A_190, %mul3A_191 : i32
        %add3A_193 = arith.addi %mul3A_2, %mul3A_192 : i32
        %dma_wait3A_194 = arith.constant 0 : i32
        %dma_wait3A_195 = tpu.memref_slice %arg4[%add3A_193, %dma_wait3A_194] : memref<819200x256xf32, #tpu.memory_space<hbm>> -> memref<80x256xf32, #tpu.memory_space<hbm>>
        %dma_wait3A_196 = arith.constant 0 : i32
        %dma_wait3A_197 = tpu.memref_slice %arg4[%add3A_193, %dma_wait3A_196] : memref<819200x256xf32, #tpu.memory_space<hbm>> -> memref<80x256xf32, #tpu.memory_space<hbm>>
        tpu.wait_dma2 semaphore(%arg17 : memref<!tpu.dma_semaphore, #tpu.memory_space<semaphore_mem>>) src(%arg9 : memref<80x256xf32, #tpu.memory_space<vmem>>) dst(%dma_wait3A_197 : memref<80x256xf32, #tpu.memory_space<hbm>>)
      } else {
      }
      %add3A_119 = arith.constant 2 : i32
      %add3A_120 = arith.addi %add3A_97, %add3A_119 : i32
      %lt3A_121 = arith.constant 320 : i32
      %lt3A_122 = arith.cmpi slt, %add3A_120, %lt3A_121 : i32
      %convert_element_type3A_123 = arith.extui %lt3A_122 : i1 to i32
      %cond3A_124 = arith.constant 0 : i32
      %cond3A_125 = arith.cmpi ne, %convert_element_type3A_123, %cond3A_124 : i32
      scf.if %cond3A_125 {
        %add3A_186 = arith.constant 2 : i32
        %add3A_187 = arith.addi %add3A_97, %add3A_186 : i32
        %add3A_188 = arith.addi %add3A_187, %mul3A_20 : i32
        %rem3A_189 = arith.constant 320 : i32
        %rem3A_190 = arith.remsi %add3A_188, %rem3A_189 : i32
        %dma_start3A_191 = arith.constant 0 : i32
        %dma_start3A_192 = tpu.memref_slice %arg5[%rem3A_190, %dma_start3A_191] : memref<320x80xi32, #tpu.memory_space<vmem>> -> memref<1x80xi32, #tpu.memory_space<vmem>>
        %dma_start3A_193 = tpu.memref_squeeze %dma_start3A_192 : memref<1x80xi32, #tpu.memory_space<vmem>> -> memref<80xi32, #tpu.memory_space<vmem>>
        %dma_start3A_194 = arith.constant 0 : i32
        %dma_start3A_195 = arith.constant 0 : i32
        %dma_start3A_196 = tpu.memref_slice %arg2[%dma_start3A_194, %dma_start3A_195] : memref<9600x256xf32, #tpu.memory_space<hbm>> -> memref<9600x256xf32, #tpu.memory_space<hbm>>
        tpu.enqueue_indirect_dma source(%dma_start3A_196 : memref<9600x256xf32, #tpu.memory_space<hbm>>) target(%arg9 : memref<80x256xf32, #tpu.memory_space<vmem>>) offsets(%dma_start3A_193 : memref<80xi32, #tpu.memory_space<vmem>>) semaphore(%arg13 : memref<!tpu.dma_semaphore, #tpu.memory_space<semaphore_mem>>)
      } else {
      }
      %add3A_126 = arith.constant 2 : i32
      %add3A_127 = arith.addi %add3A_69, %add3A_126 : i32
      %add3A_128 = arith.addi %add3A_127, %mul3A_20 : i32
      %rem3A_129 = arith.constant 320 : i32
      %rem3A_130 = arith.remsi %add3A_128, %rem3A_129 : i32
      %dma_wait3A_131 = arith.constant 0 : i32
      %dma_wait3A_132 = tpu.memref_slice %arg5[%rem3A_130, %dma_wait3A_131] : memref<320x80xi32, #tpu.memory_space<vmem>> -> memref<1x80xi32, #tpu.memory_space<vmem>>
      %dma_wait3A_133 = tpu.memref_squeeze %dma_wait3A_132 : memref<1x80xi32, #tpu.memory_space<vmem>> -> memref<80xi32, #tpu.memory_space<vmem>>
      %dma_wait3A_134 = arith.constant 0 : i32
      %dma_wait3A_135 = arith.constant 0 : i32
      %dma_wait3A_136 = tpu.memref_slice %arg2[%dma_wait3A_134, %dma_wait3A_135] : memref<9600x256xf32, #tpu.memory_space<hbm>> -> memref<9600x256xf32, #tpu.memory_space<hbm>>
      tpu.wait_indirect_dma semaphore(%arg12 : memref<!tpu.dma_semaphore, #tpu.memory_space<semaphore_mem>>) src(%dma_wait3A_136 : memref<9600x256xf32, #tpu.memory_space<hbm>>) dst(%arg8 : memref<80x256xf32, #tpu.memory_space<vmem>>)
      %mul3A_137 = arith.constant 80 : i32
      %mul3A_138 = arith.muli %rem3A_130, %mul3A_137 : i32
      %add3A_139 = arith.addi %mul3A_2, %mul3A_138 : i32
      %dma_start3A_140 = arith.constant 0 : i32
      %dma_start3A_141 = tpu.memref_slice %arg4[%add3A_139, %dma_start3A_140] : memref<819200x256xf32, #tpu.memory_space<hbm>> -> memref<80x256xf32, #tpu.memory_space<hbm>>
      %dma_start3A_142 = arith.constant 0 : i32
      %dma_start3A_143 = tpu.memref_slice %arg4[%add3A_139, %dma_start3A_142] : memref<819200x256xf32, #tpu.memory_space<hbm>> -> memref<80x256xf32, #tpu.memory_space<hbm>>
      tpu.enqueue_dma source(%arg8 : memref<80x256xf32, #tpu.memory_space<vmem>>) target(%dma_start3A_143 : memref<80x256xf32, #tpu.memory_space<hbm>>) target_semaphore(%arg16 : memref<!tpu.dma_semaphore, #tpu.memory_space<semaphore_mem>>)
      %ge3A_144 = arith.constant 2 : i32
      %ge3A_145 = arith.cmpi sge, %add3A_127, %ge3A_144 : i32
      %convert_element_type3A_146 = arith.extui %ge3A_145 : i1 to i32
      %cond3A_147 = arith.constant 0 : i32
      %cond3A_148 = arith.cmpi ne, %convert_element_type3A_146, %cond3A_147 : i32
      scf.if %cond3A_148 {
        %sub3A_186 = arith.constant 2 : i32
        %sub3A_187 = arith.subi %add3A_127, %sub3A_186 : i32
        %add3A_188 = arith.addi %sub3A_187, %mul3A_20 : i32
        %rem3A_189 = arith.constant 320 : i32
        %rem3A_190 = arith.remsi %add3A_188, %rem3A_189 : i32
        %mul3A_191 = arith.constant 80 : i32
        %mul3A_192 = arith.muli %rem3A_190, %mul3A_191 : i32
        %add3A_193 = arith.addi %mul3A_2, %mul3A_192 : i32
        %dma_wait3A_194 = arith.constant 0 : i32
        %dma_wait3A_195 = tpu.memref_slice %arg4[%add3A_193, %dma_wait3A_194] : memref<819200x256xf32, #tpu.memory_space<hbm>> -> memref<80x256xf32, #tpu.memory_space<hbm>>
        %dma_wait3A_196 = arith.constant 0 : i32
        %dma_wait3A_197 = tpu.memref_slice %arg4[%add3A_193, %dma_wait3A_196] : memref<819200x256xf32, #tpu.memory_space<hbm>> -> memref<80x256xf32, #tpu.memory_space<hbm>>
        tpu.wait_dma2 semaphore(%arg14 : memref<!tpu.dma_semaphore, #tpu.memory_space<semaphore_mem>>) src(%arg6 : memref<80x256xf32, #tpu.memory_space<vmem>>) dst(%dma_wait3A_197 : memref<80x256xf32, #tpu.memory_space<hbm>>)
      } else {
      }
      %add3A_149 = arith.constant 2 : i32
      %add3A_150 = arith.addi %add3A_127, %add3A_149 : i32
      %lt3A_151 = arith.constant 320 : i32
      %lt3A_152 = arith.cmpi slt, %add3A_150, %lt3A_151 : i32
      %convert_element_type3A_153 = arith.extui %lt3A_152 : i1 to i32
      %cond3A_154 = arith.constant 0 : i32
      %cond3A_155 = arith.cmpi ne, %convert_element_type3A_153, %cond3A_154 : i32
      scf.if %cond3A_155 {
        %add3A_186 = arith.constant 2 : i32
        %add3A_187 = arith.addi %add3A_127, %add3A_186 : i32
        %add3A_188 = arith.addi %add3A_187, %mul3A_20 : i32
        %rem3A_189 = arith.constant 320 : i32
        %rem3A_190 = arith.remsi %add3A_188, %rem3A_189 : i32
        %dma_start3A_191 = arith.constant 0 : i32
        %dma_start3A_192 = tpu.memref_slice %arg5[%rem3A_190, %dma_start3A_191] : memref<320x80xi32, #tpu.memory_space<vmem>> -> memref<1x80xi32, #tpu.memory_space<vmem>>
        %dma_start3A_193 = tpu.memref_squeeze %dma_start3A_192 : memref<1x80xi32, #tpu.memory_space<vmem>> -> memref<80xi32, #tpu.memory_space<vmem>>
        %dma_start3A_194 = arith.constant 0 : i32
        %dma_start3A_195 = arith.constant 0 : i32
        %dma_start3A_196 = tpu.memref_slice %arg2[%dma_start3A_194, %dma_start3A_195] : memref<9600x256xf32, #tpu.memory_space<hbm>> -> memref<9600x256xf32, #tpu.memory_space<hbm>>
        tpu.enqueue_indirect_dma source(%dma_start3A_196 : memref<9600x256xf32, #tpu.memory_space<hbm>>) target(%arg6 : memref<80x256xf32, #tpu.memory_space<vmem>>) offsets(%dma_start3A_193 : memref<80xi32, #tpu.memory_space<vmem>>) semaphore(%arg10 : memref<!tpu.dma_semaphore, #tpu.memory_space<semaphore_mem>>)
      } else {
      }
      %add3A_156 = arith.constant 3 : i32
      %add3A_157 = arith.addi %add3A_69, %add3A_156 : i32
      %add3A_158 = arith.addi %add3A_157, %mul3A_20 : i32
      %rem3A_159 = arith.constant 320 : i32
      %rem3A_160 = arith.remsi %add3A_158, %rem3A_159 : i32
      %dma_wait3A_161 = arith.constant 0 : i32
      %dma_wait3A_162 = tpu.memref_slice %arg5[%rem3A_160, %dma_wait3A_161] : memref<320x80xi32, #tpu.memory_space<vmem>> -> memref<1x80xi32, #tpu.memory_space<vmem>>
      %dma_wait3A_163 = tpu.memref_squeeze %dma_wait3A_162 : memref<1x80xi32, #tpu.memory_space<vmem>> -> memref<80xi32, #tpu.memory_space<vmem>>
      %dma_wait3A_164 = arith.constant 0 : i32
      %dma_wait3A_165 = arith.constant 0 : i32
      %dma_wait3A_166 = tpu.memref_slice %arg2[%dma_wait3A_164, %dma_wait3A_165] : memref<9600x256xf32, #tpu.memory_space<hbm>> -> memref<9600x256xf32, #tpu.memory_space<hbm>>
      tpu.wait_indirect_dma semaphore(%arg13 : memref<!tpu.dma_semaphore, #tpu.memory_space<semaphore_mem>>) src(%dma_wait3A_166 : memref<9600x256xf32, #tpu.memory_space<hbm>>) dst(%arg9 : memref<80x256xf32, #tpu.memory_space<vmem>>)
      %mul3A_167 = arith.constant 80 : i32
      %mul3A_168 = arith.muli %rem3A_160, %mul3A_167 : i32
      %add3A_169 = arith.addi %mul3A_2, %mul3A_168 : i32
      %dma_start3A_170 = arith.constant 0 : i32
      %dma_start3A_171 = tpu.memref_slice %arg4[%add3A_169, %dma_start3A_170] : memref<819200x256xf32, #tpu.memory_space<hbm>> -> memref<80x256xf32, #tpu.memory_space<hbm>>
      %dma_start3A_172 = arith.constant 0 : i32
      %dma_start3A_173 = tpu.memref_slice %arg4[%add3A_169, %dma_start3A_172] : memref<819200x256xf32, #tpu.memory_space<hbm>> -> memref<80x256xf32, #tpu.memory_space<hbm>>
      tpu.enqueue_dma source(%arg9 : memref<80x256xf32, #tpu.memory_space<vmem>>) target(%dma_start3A_173 : memref<80x256xf32, #tpu.memory_space<hbm>>) target_semaphore(%arg17 : memref<!tpu.dma_semaphore, #tpu.memory_space<semaphore_mem>>)
      %ge3A_174 = arith.constant 2 : i32
      %ge3A_175 = arith.cmpi sge, %add3A_157, %ge3A_174 : i32
      %convert_element_type3A_176 = arith.extui %ge3A_175 : i1 to i32
      %cond3A_177 = arith.constant 0 : i32
      %cond3A_178 = arith.cmpi ne, %convert_element_type3A_176, %cond3A_177 : i32
      scf.if %cond3A_178 {
        %sub3A_186 = arith.constant 2 : i32
        %sub3A_187 = arith.subi %add3A_157, %sub3A_186 : i32
        %add3A_188 = arith.addi %sub3A_187, %mul3A_20 : i32
        %rem3A_189 = arith.constant 320 : i32
        %rem3A_190 = arith.remsi %add3A_188, %rem3A_189 : i32
        %mul3A_191 = arith.constant 80 : i32
        %mul3A_192 = arith.muli %rem3A_190, %mul3A_191 : i32
        %add3A_193 = arith.addi %mul3A_2, %mul3A_192 : i32
        %dma_wait3A_194 = arith.constant 0 : i32
        %dma_wait3A_195 = tpu.memref_slice %arg4[%add3A_193, %dma_wait3A_194] : memref<819200x256xf32, #tpu.memory_space<hbm>> -> memref<80x256xf32, #tpu.memory_space<hbm>>
        %dma_wait3A_196 = arith.constant 0 : i32
        %dma_wait3A_197 = tpu.memref_slice %arg4[%add3A_193, %dma_wait3A_196] : memref<819200x256xf32, #tpu.memory_space<hbm>> -> memref<80x256xf32, #tpu.memory_space<hbm>>
        tpu.wait_dma2 semaphore(%arg15 : memref<!tpu.dma_semaphore, #tpu.memory_space<semaphore_mem>>) src(%arg7 : memref<80x256xf32, #tpu.memory_space<vmem>>) dst(%dma_wait3A_197 : memref<80x256xf32, #tpu.memory_space<hbm>>)
      } else {
      }
      %add3A_179 = arith.constant 2 : i32
      %add3A_180 = arith.addi %add3A_157, %add3A_179 : i32
      %lt3A_181 = arith.constant 320 : i32
      %lt3A_182 = arith.cmpi slt, %add3A_180, %lt3A_181 : i32
      %convert_element_type3A_183 = arith.extui %lt3A_182 : i1 to i32
      %cond3A_184 = arith.constant 0 : i32
      %cond3A_185 = arith.cmpi ne, %convert_element_type3A_183, %cond3A_184 : i32
      scf.if %cond3A_185 {
        %add3A_186 = arith.constant 2 : i32
        %add3A_187 = arith.addi %add3A_157, %add3A_186 : i32
        %add3A_188 = arith.addi %add3A_187, %mul3A_20 : i32
        %rem3A_189 = arith.constant 320 : i32
        %rem3A_190 = arith.remsi %add3A_188, %rem3A_189 : i32
        %dma_start3A_191 = arith.constant 0 : i32
        %dma_start3A_192 = tpu.memref_slice %arg5[%rem3A_190, %dma_start3A_191] : memref<320x80xi32, #tpu.memory_space<vmem>> -> memref<1x80xi32, #tpu.memory_space<vmem>>
        %dma_start3A_193 = tpu.memref_squeeze %dma_start3A_192 : memref<1x80xi32, #tpu.memory_space<vmem>> -> memref<80xi32, #tpu.memory_space<vmem>>
        %dma_start3A_194 = arith.constant 0 : i32
        %dma_start3A_195 = arith.constant 0 : i32
        %dma_start3A_196 = tpu.memref_slice %arg2[%dma_start3A_194, %dma_start3A_195] : memref<9600x256xf32, #tpu.memory_space<hbm>> -> memref<9600x256xf32, #tpu.memory_space<hbm>>
        tpu.enqueue_indirect_dma source(%dma_start3A_196 : memref<9600x256xf32, #tpu.memory_space<hbm>>) target(%arg7 : memref<80x256xf32, #tpu.memory_space<vmem>>) offsets(%dma_start3A_193 : memref<80xi32, #tpu.memory_space<vmem>>) semaphore(%arg11 : memref<!tpu.dma_semaphore, #tpu.memory_space<semaphore_mem>>)
      } else {
      }
    }
    %scan3A_43 = arith.constant 80 : i32
    %add3A_44 = arith.constant 318 : i32
    %add3A_45 = arith.addi %add3A_44, %mul3A_20 : i32
    %rem3A_46 = arith.constant 320 : i32
    %rem3A_47 = arith.remsi %add3A_45, %rem3A_46 : i32
    %mul3A_48 = arith.constant 80 : i32
    %mul3A_49 = arith.muli %rem3A_47, %mul3A_48 : i32
    %add3A_50 = arith.addi %mul3A_2, %mul3A_49 : i32
    %dma_wait3A = arith.constant 0 : i32
    %dma_wait3A_51 = tpu.memref_slice %arg4[%add3A_50, %dma_wait3A] : memref<819200x256xf32, #tpu.memory_space<hbm>> -> memref<80x256xf32, #tpu.memory_space<hbm>>
    %dma_wait3A_52 = arith.constant 0 : i32
    %dma_wait3A_53 = tpu.memref_slice %arg4[%add3A_50, %dma_wait3A_52] : memref<819200x256xf32, #tpu.memory_space<hbm>> -> memref<80x256xf32, #tpu.memory_space<hbm>>
    tpu.wait_dma2 semaphore(%arg16 : memref<!tpu.dma_semaphore, #tpu.memory_space<semaphore_mem>>) src(%arg8 : memref<80x256xf32, #tpu.memory_space<vmem>>) dst(%dma_wait3A_53 : memref<80x256xf32, #tpu.memory_space<hbm>>)
    %add3A_54 = arith.constant 319 : i32
    %add3A_55 = arith.addi %add3A_54, %mul3A_20 : i32
    %rem3A_56 = arith.constant 320 : i32
    %rem3A_57 = arith.remsi %add3A_55, %rem3A_56 : i32
    %mul3A_58 = arith.constant 80 : i32
    %mul3A_59 = arith.muli %rem3A_57, %mul3A_58 : i32
    %add3A_60 = arith.addi %mul3A_2, %mul3A_59 : i32
    %dma_wait3A_61 = arith.constant 0 : i32
    %dma_wait3A_62 = tpu.memref_slice %arg4[%add3A_60, %dma_wait3A_61] : memref<819200x256xf32, #tpu.memory_space<hbm>> -> memref<80x256xf32, #tpu.memory_space<hbm>>
    %dma_wait3A_63 = arith.constant 0 : i32
    %dma_wait3A_64 = tpu.memref_slice %arg4[%add3A_60, %dma_wait3A_63] : memref<819200x256xf32, #tpu.memory_space<hbm>> -> memref<80x256xf32, #tpu.memory_space<hbm>>
    tpu.wait_dma2 semaphore(%arg17 : memref<!tpu.dma_semaphore, #tpu.memory_space<semaphore_mem>>) src(%arg9 : memref<80x256xf32, #tpu.memory_space<vmem>>) dst(%dma_wait3A_64 : memref<80x256xf32, #tpu.memory_space<hbm>>)
    return
  }
}

module attributes {stable_mosaic.version = 14 : i64} {
  func.func @_idx_body(%arg0: i32, %arg1: memref<256x200xi32, #tpu.memory_space<vmem>>, %arg2: memref<256x200xi32, #tpu.memory_space<vmem>>) attributes {dimension_semantics = [#tpu.dimension_semantics<arbitrary>], iteration_bounds = array<i64: 16>, scalar_prefetch = 0 : i64, scratch_operands = 0 : i64, tpu.core_type = #tpu.core_type<tc>, window_params = [{transform_indices = @transform_0, window_bounds = array<i64: 256, 200>}, {transform_indices = @transform_1, window_bounds = array<i64: 256, 200>}]} {
    %get3A = arith.constant 0 : index
    %get3A_0 = arith.constant 0 : index
    %get3A_1 = vector.load %arg1[%get3A, %get3A_0] : memref<256x200xi32, #tpu.memory_space<vmem>>, vector<256x200xi32>
    %iota3A = tpu.iota {dimensions = array<i32: 1>} : vector<256x200xi32>
    %iota3A_2 = tpu.iota {dimensions = array<i32: 0>} : vector<256x200xi32>
    %mul3A = arith.constant 256 : i32
    %mul3A_3 = arith.muli %arg0, %mul3A : i32
    %add3A = vector.broadcast %mul3A_3 : i32 to vector<256x200xi32>
    %add3A_4 = arith.addi %iota3A_2, %add3A : vector<256x200xi32>
    %jit3A = arith.constant 128 : i32
    %div3A = vector.broadcast %jit3A : i32 to vector<256x200xi32>
    %div3A_5 = arith.divsi %add3A_4, %div3A : vector<256x200xi32>
    %sign3A = arith.constant 0 : i32
    %sign3A_6 = vector.broadcast %sign3A : i32 to vector<256x200xi32>
    %sign3A_7 = arith.cmpi sgt, %add3A_4, %sign3A_6 : vector<256x200xi32>
    %sign3A_8 = arith.extui %sign3A_7 : vector<256x200xi1> to vector<256x200xi32>
    %sign3A_9 = arith.constant 0 : i32
    %sign3A_10 = vector.broadcast %sign3A_9 : i32 to vector<256x200xi32>
    %sign3A_11 = arith.cmpi slt, %add3A_4, %sign3A_10 : vector<256x200xi32>
    %sign3A_12 = arith.extui %sign3A_11 : vector<256x200xi1> to vector<256x200xi32>
    %sign3A_13 = arith.subi %sign3A_8, %sign3A_12 : vector<256x200xi32>
    %sign3A_14 = arith.constant 0 : i32
    %sign3A_15 = arith.cmpi sgt, %jit3A, %sign3A_14 : i32
    %sign3A_16 = arith.extui %sign3A_15 : i1 to i32
    %sign3A_17 = arith.constant 0 : i32
    %sign3A_18 = arith.cmpi slt, %jit3A, %sign3A_17 : i32
    %sign3A_19 = arith.extui %sign3A_18 : i1 to i32
    %sign3A_20 = arith.subi %sign3A_16, %sign3A_19 : i32
    %ne3A = vector.broadcast %sign3A_20 : i32 to vector<256x200xi32>
    %ne3A_21 = arith.cmpi ne, %sign3A_13, %ne3A : vector<256x200xi32>
    %rem3A = vector.broadcast %jit3A : i32 to vector<256x200xi32>
    %rem3A_22 = arith.remsi %add3A_4, %rem3A : vector<256x200xi32>
    %ne3A_23 = arith.constant 0 : i32
    %ne3A_24 = vector.broadcast %ne3A_23 : i32 to vector<256x200xi32>
    %ne3A_25 = arith.cmpi ne, %rem3A_22, %ne3A_24 : vector<256x200xi32>
    %and3A = arith.andi %ne3A_21, %ne3A_25 : vector<256x200xi1>
    %sub3A = arith.constant 1 : i32
    %sub3A_26 = vector.broadcast %sub3A : i32 to vector<256x200xi32>
    %sub3A_27 = arith.subi %div3A_5, %sub3A_26 : vector<256x200xi32>
    %select_n3A = arith.select %and3A, %sub3A_27, %div3A_5 : vector<256x200xi1>, vector<256x200xi32>
    %jit3A_28 = arith.constant 8 : i32
    %eq3A = arith.constant 0 : i32
    %eq3A_29 = arith.cmpi eq, %jit3A_28, %eq3A : i32
    %jit3A_30 = arith.constant 1 : i32
    %select_n3A_31 = arith.select %eq3A_29, %jit3A_30, %jit3A_28 : i32
    %rem3A_32 = vector.broadcast %select_n3A_31 : i32 to vector<256x200xi32>
    %rem3A_33 = arith.remsi %select_n3A, %rem3A_32 : vector<256x200xi32>
    %ne3A_34 = arith.constant 0 : i32
    %ne3A_35 = vector.broadcast %ne3A_34 : i32 to vector<256x200xi32>
    %ne3A_36 = arith.cmpi ne, %rem3A_33, %ne3A_35 : vector<256x200xi32>
    %lt3A = arith.constant 0 : i32
    %lt3A_37 = vector.broadcast %lt3A : i32 to vector<256x200xi32>
    %lt3A_38 = arith.cmpi slt, %rem3A_33, %lt3A_37 : vector<256x200xi32>
    %lt3A_39 = arith.constant 0 : i32
    %lt3A_40 = arith.cmpi slt, %select_n3A_31, %lt3A_39 : i32
    %ne3A_41 = vector.broadcast %lt3A_40 : i1 to vector<256x200xi1>
    %ne3A_42 = vector.broadcast %ne3A_41 : vector<256x200xi1> to vector<256x200xi1>
    %ne3A_43 = arith.xori %lt3A_38, %ne3A_42 : vector<256x200xi1>
    %and3A_44 = arith.andi %ne3A_43, %ne3A_36 : vector<256x200xi1>
    %add3A_45 = vector.broadcast %select_n3A_31 : i32 to vector<256x200xi32>
    %add3A_46 = arith.addi %rem3A_33, %add3A_45 : vector<256x200xi32>
    %select_n3A_47 = arith.select %and3A_44, %add3A_46, %rem3A_33 : vector<256x200xi1>, vector<256x200xi32>
    %mul3A_48 = arith.constant 200 : i32
    %mul3A_49 = vector.broadcast %mul3A_48 : i32 to vector<256x200xi32>
    %mul3A_50 = arith.muli %get3A_1, %mul3A_49 : vector<256x200xi32>
    %add3A_51 = arith.addi %mul3A_50, %iota3A : vector<256x200xi32>
    %mul3A_52 = arith.constant 1200 : i32
    %mul3A_53 = vector.broadcast %mul3A_52 : i32 to vector<256x200xi32>
    %mul3A_54 = arith.muli %select_n3A_47, %mul3A_53 : vector<256x200xi32>
    %add3A_55 = arith.addi %add3A_51, %mul3A_54 : vector<256x200xi32>
    %swap3A = arith.constant 0 : index
    %swap3A_56 = arith.constant 0 : index
    %swap3A_57 = vector.load %arg2[%swap3A, %swap3A_56] : memref<256x200xi32, #tpu.memory_space<vmem>>, vector<256x200xi32>
    tpu.vector_store %arg2[%swap3A, %swap3A_56], %add3A_55 {strides = array<i32>} : memref<256x200xi32, #tpu.memory_space<vmem>>, vector<256x200xi32>,
    return
  }
  func.func @transform_0(%arg0: i32) -> (i32, i32) {
    %c0_i32 = arith.constant 0 : i32
    %c0_i32_0 = arith.constant 0 : i32
    return %arg0, %c0_i32 : i32, i32
  }
  func.func @transform_1(%arg0: i32) -> (i32, i32) {
    %c0_i32 = arith.constant 0 : i32
    %c0_i32_0 = arith.constant 0 : i32
    return %arg0, %c0_i32 : i32, i32
  }
}

module attributes {stable_mosaic.version = 14 : i64} {
  func.func @_combo_body(%arg0: i32, %arg1: memref<6x256xf32, #tpu.memory_space<vmem>>, %arg2: memref<200x256xf32, #tpu.memory_space<vmem>>, %arg3: memref<1x256xf32, #tpu.memory_space<vmem>>, %arg4: memref<1x256xf32, #tpu.memory_space<vmem>>, %arg5: memref<1x6x200x256xf32, #tpu.memory_space<vmem>>) attributes {dimension_semantics = [#tpu.dimension_semantics<arbitrary>], iteration_bounds = array<i64: 8>, scalar_prefetch = 0 : i64, scratch_operands = 0 : i64, tpu.core_type = #tpu.core_type<tc>, window_params = [{pipeline_mode = #tpu.pipeline_mode<synchronous>, transform_indices = @transform_0, window_bounds = array<i64: 6, 256>}, {pipeline_mode = #tpu.pipeline_mode<synchronous>, transform_indices = @transform_1, window_bounds = array<i64: 200, 256>}, {pipeline_mode = #tpu.pipeline_mode<synchronous>, transform_indices = @transform_2, window_bounds = array<i64: 1, 256>}, {pipeline_mode = #tpu.pipeline_mode<synchronous>, transform_indices = @transform_3, window_bounds = array<i64: 1, 256>}, {transform_indices = @transform_4, window_bounds = array<i64: 1, 6, 200, 256>}]} {
    %get3A = arith.constant 0 : index
    %get3A_0 = arith.constant 0 : index
    %get3A_1 = vector.load %arg1[%get3A, %get3A_0] : memref<6x256xf32, #tpu.memory_space<vmem>>, vector<6x256xf32>
    %broadcast_in_dim3A = vector.shape_cast %get3A_1 : vector<6x256xf32> to vector<6x1x256xf32>
    %get3A_2 = arith.constant 0 : index
    %get3A_3 = arith.constant 0 : index
    %get3A_4 = vector.load %arg2[%get3A_2, %get3A_3] : memref<200x256xf32, #tpu.memory_space<vmem>>, vector<200x256xf32>
    %broadcast_in_dim3A_5 = vector.shape_cast %get3A_4 : vector<200x256xf32> to vector<1x200x256xf32>
    %add3A = vector.broadcast %broadcast_in_dim3A : vector<6x1x256xf32> to vector<6x200x256xf32>
    %add3A_6 = vector.broadcast %broadcast_in_dim3A_5 : vector<1x200x256xf32> to vector<6x200x256xf32>
    %add3A_7 = arith.addf %add3A, %add3A_6 : vector<6x200x256xf32>
    %reduce_sum3A = arith.constant dense<0.000000e+00> : vector<6x200xf32>
    %reduce_sum3A_8 = vector.multi_reduction <add>, %add3A_7, %reduce_sum3A [2] : vector<6x200x256xf32> to vector<6x200xf32>
    %broadcast_in_dim3A_9 = vector.shape_cast %reduce_sum3A_8 : vector<6x200xf32> to vector<6x200x1xf32>
    %div3A = arith.constant 2.560000e+02 : f32
    %div3A_10 = vector.broadcast %div3A : f32 to vector<6x200x1xf32>
    %div3A_11 = arith.divf %broadcast_in_dim3A_9, %div3A_10 : vector<6x200x1xf32>
    %sub3A = vector.broadcast %div3A_11 : vector<6x200x1xf32> to vector<6x200x256xf32>
    %sub3A_12 = arith.subf %add3A_7, %sub3A : vector<6x200x256xf32>
    %mul3A = arith.mulf %sub3A_12, %sub3A_12 : vector<6x200x256xf32>
    %reduce_sum3A_13 = arith.constant dense<0.000000e+00> : vector<6x200xf32>
    %reduce_sum3A_14 = vector.multi_reduction <add>, %mul3A, %reduce_sum3A_13 [2] : vector<6x200x256xf32> to vector<6x200xf32>
    %broadcast_in_dim3A_15 = vector.shape_cast %reduce_sum3A_14 : vector<6x200xf32> to vector<6x200x1xf32>
    %div3A_16 = arith.constant 2.560000e+02 : f32
    %div3A_17 = vector.broadcast %div3A_16 : f32 to vector<6x200x1xf32>
    %div3A_18 = arith.divf %broadcast_in_dim3A_15, %div3A_17 : vector<6x200x1xf32>
    %add3A_19 = arith.constant 9.99999996E-13 : f32
    %add3A_20 = vector.broadcast %add3A_19 : f32 to vector<6x200x1xf32>
    %add3A_21 = arith.addf %div3A_18, %add3A_20 : vector<6x200x1xf32>
    %rsqrt3A = math.rsqrt %add3A_21 : vector<6x200x1xf32>
    %mul3A_22 = vector.broadcast %rsqrt3A : vector<6x200x1xf32> to vector<6x200x256xf32>
    %mul3A_23 = arith.mulf %sub3A_12, %mul3A_22 : vector<6x200x256xf32>
    %get3A_24 = arith.constant 0 : index
    %get3A_25 = arith.constant 0 : index
    %get3A_26 = vector.load %arg3[%get3A_24, %get3A_25] : memref<1x256xf32, #tpu.memory_space<vmem>>, vector<1x256xf32>
    %broadcast_in_dim3A_27 = vector.shape_cast %get3A_26 : vector<1x256xf32> to vector<1x1x256xf32>
    %mul3A_28 = vector.broadcast %broadcast_in_dim3A_27 : vector<1x1x256xf32> to vector<6x200x256xf32>
    %mul3A_29 = arith.mulf %mul3A_23, %mul3A_28 : vector<6x200x256xf32>
    %get3A_30 = arith.constant 0 : index
    %get3A_31 = arith.constant 0 : index
    %get3A_32 = vector.load %arg4[%get3A_30, %get3A_31] : memref<1x256xf32, #tpu.memory_space<vmem>>, vector<1x256xf32>
    %broadcast_in_dim3A_33 = vector.shape_cast %get3A_32 : vector<1x256xf32> to vector<1x1x256xf32>
    %add3A_34 = vector.broadcast %broadcast_in_dim3A_33 : vector<1x1x256xf32> to vector<6x200x256xf32>
    %add3A_35 = arith.addf %mul3A_29, %add3A_34 : vector<6x200x256xf32>
    %broadcast_in_dim3A_36 = vector.shape_cast %add3A_35 : vector<6x200x256xf32> to vector<1x6x200x256xf32>
    %swap3A = arith.constant 0 : index
    %swap3A_37 = arith.constant 0 : index
    %swap3A_38 = arith.constant 0 : index
    %swap3A_39 = arith.constant 0 : index
    %swap3A_40 = vector.load %arg5[%swap3A, %swap3A_37, %swap3A_38, %swap3A_39] : memref<1x6x200x256xf32, #tpu.memory_space<vmem>>, vector<1x6x200x256xf32>
    tpu.vector_store %arg5[%swap3A, %swap3A_37, %swap3A_38, %swap3A_39], %broadcast_in_dim3A_36 {strides = array<i32>} : memref<1x6x200x256xf32, #tpu.memory_space<vmem>>, vector<1x6x200x256xf32>,
    return
  }
  func.func @transform_0(%arg0: i32) -> (i32, i32) {
    %c0_i32 = arith.constant 0 : i32
    %c0_i32_0 = arith.constant 0 : i32
    %c0_i32_1 = arith.constant 0 : i32
    return %c0_i32, %c0_i32_0 : i32, i32
  }
  func.func @transform_1(%arg0: i32) -> (i32, i32) {
    %c0_i32 = arith.constant 0 : i32
    %c0_i32_0 = arith.constant 0 : i32
    %c0_i32_1 = arith.constant 0 : i32
    return %c0_i32, %c0_i32_0 : i32, i32
  }
  func.func @transform_2(%arg0: i32) -> (i32, i32) {
    %c0_i32 = arith.constant 0 : i32
    %c0_i32_0 = arith.constant 0 : i32
    %c0_i32_1 = arith.constant 0 : i32
    return %c0_i32, %c0_i32_0 : i32, i32
  }
  func.func @transform_3(%arg0: i32) -> (i32, i32) {
    %c0_i32 = arith.constant 0 : i32
    %c0_i32_0 = arith.constant 0 : i32
    %c0_i32_1 = arith.constant 0 : i32
    return %c0_i32, %c0_i32_0 : i32, i32
  }
  func.func @transform_4(%arg0: i32) -> (i32, i32, i32, i32) {
    %c0_i32 = arith.constant 0 : i32
    %c0_i32_0 = arith.constant 0 : i32
    %c0_i32_1 = arith.constant 0 : i32
    %c0_i32_2 = arith.constant 0 : i32
    return %arg0, %c0_i32, %c0_i32_0, %c0_i32_1 : i32, i32, i32, i32
  }
}

module attributes {stable_mosaic.version = 14 : i64} {
  func.func @_mask_body(%arg0: i32, %arg1: memref<256x200xi32, #tpu.memory_space<vmem>>, %arg2: memref<256x200xi32, #tpu.memory_space<vmem>>) attributes {dimension_semantics = [#tpu.dimension_semantics<arbitrary>], iteration_bounds = array<i64: 16>, scalar_prefetch = 0 : i64, scratch_operands = 0 : i64, tpu.core_type = #tpu.core_type<tc>, window_params = [{transform_indices = @transform_0, window_bounds = array<i64: 256, 200>}, {transform_indices = @transform_1, window_bounds = array<i64: 256, 200>}]} {
    %get3A = arith.constant 0 : index
    %get3A_0 = arith.constant 0 : index
    %get3A_1 = vector.load %arg1[%get3A, %get3A_0] : memref<256x200xi32, #tpu.memory_space<vmem>>, vector<256x200xi32>
    %ne3A = arith.constant 1 : i32
    %ne3A_2 = vector.broadcast %ne3A : i32 to vector<256x200xi32>
    %ne3A_3 = arith.cmpi ne, %get3A_1, %ne3A_2 : vector<256x200xi32>
    %convert_element_type3A = arith.extui %ne3A_3 : vector<256x200xi1> to vector<256x200xi32>
    %swap3A = arith.constant 0 : index
    %swap3A_4 = arith.constant 0 : index
    %swap3A_5 = vector.load %arg2[%swap3A, %swap3A_4] : memref<256x200xi32, #tpu.memory_space<vmem>>, vector<256x200xi32>
    tpu.vector_store %arg2[%swap3A, %swap3A_4], %convert_element_type3A {strides = array<i32>} : memref<256x200xi32, #tpu.memory_space<vmem>>, vector<256x200xi32>,
    return
  }
  func.func @transform_0(%arg0: i32) -> (i32, i32) {
    %c0_i32 = arith.constant 0 : i32
    %c0_i32_0 = arith.constant 0 : i32
    return %arg0, %c0_i32 : i32, i32
  }
  func.func @transform_1(%arg0: i32) -> (i32, i32) {
    %c0_i32 = arith.constant 0 : i32
    %c0_i32_0 = arith.constant 0 : i32
    return %arg0, %c0_i32 : i32, i32
  }
}

</mosaic_0001>

<sc_bundles>
// kernel: kernel.6.cloned.1.call-start
scs
__scs_entry_jumppad:
0x0: {  	(pc) =	sbr.rel $0x88, $3  }
0x1: {  	(tag) =	ssettag $0x0;
	lr =	simm.s32 $0x1  }
0x2: {  	[smem:$0x3F9C] =	sst lr;
	_ =	strace $0xD0000000  }
0x3: {  	_ = 	snop  }
0x4: {  	_ = 	snop  }
0x5: {  	_ = 	snop  }
0x6: {  	_ = 	snop  }
0x7: {  	_ = 	snop  }
__scs_overlays_trampoline_lowered:
0x8: {  	[smem:$0x3FAB] =	sst s0  }
0x9: {  	[smem:$0x3FAC] =	sst s1  }
0xa: {  	[smem:$0x3FAD] =	sst s2  }
0xb: {  	[smem:$0x3FAE] =	sst s3  }
0xc: {  	[smem:$0x3FAF] =	sst s4  }
0xd: {  	[smem:$0x3FB0] =	sst s5  }
0xe: {  	[smem:$0x3FB1] =	sst s6  }
0xf: {  	[smem:$0x3FB2] =	sst s7  }
0x10: {  	[smem:$0x3FB3] =	sst s8  }
0x11: {  	[smem:$0x3FB4] =	sst s9;
	s0 =	simm.s32 @!p0 $0x0  }
0x12: {  	s1 =	sld [smem:$0x3F9A];
	s0 =	simm.s32 @p0 $0x1  }
0x13: {  	[smem:$0x3FB5] =	sst s0;
	s0 =	simm.s32 @!p1 $0x0  }
0x14: {  	s2 =	sld [smem:$0x3F99];
	s0 =	simm.s32 @p1 $0x1  }
0x15: {  	[smem:$0x3FB6] =	sst s0;
	s0 =	simm.s32 @!p2 $0x0  }
0x16: {  	s3 =	sld [smem:$0x3FDB];
	s0 =	simm.s32 @p2 $0x1  }
0x17: {  	s4 =	simm.s32 $0x1BF5;
	[smem:$0x3FB8] =	sst s0  }
0x18: {  	s0 =	sld [smem:$0x3F9B];
	_ =	swait.ge [sflag:s4], $0x0  }
0x19: {  	s7 =	sld [smem:$0x3F9C]  }
0x1a: {  	s8 =	sadd.s32 $0xFFFFE003, lr  }
0x1b: {  	s9 =	sadd.s32 $0xFFFFFEF7, lr;
	s5 =	simm.s32 $0xFFFFFFFF;
	p2 =	slt.u32 s8, $0xFFFFF086  }
0x1c: {  	p1 =	slt.u32 s9, $0xF7A;
	s5 =	simm.s32 @!p2 $0x0  }
0x1d: {  	s5 =	simm.s32 @p1 $0x1;
	p0 =	seq.s32 s7, s2  }
0x1e: {  	s7 =	smul.u32 @!p0 $0xF7A, s2;
	p2 =	seq.s32 @!p0 s5, $0x0  }
0x1f: {  	s9 =	smul.u32 $0xF7A, s1;
	s8 =	simm.s32 @!p0 $0x1BF5;
	p2 =	por !p2, p0  }
0x20: {  	[sflag:s8] =	ssyncset.s32 @!p0 $0xFFFFF086;
	s6 =	sadd.s32 @!p0 s3, s7;
	s7 =	simm.s32 @!p0 $0x108  }
0x21: {  	s3 =	sadd.s32 s3, s9;
	s6 =	sadd.s32 @!p0 $0x88, s6;
	s7 =	simm.s32 @p2 $0x1082  }
0x22: {  	[simem:s7], [sflag:s8] =	dma.local @!p0 [hbm:s6], $0xF7A  }
0x23: {  	s9 =	sor.u32 $0xD0000000, s2;
	s6 =	simm.s32 $0x108;
	_ =	swait.ge @!p0 [sflag:s8], $0x0  }
0x24: {  	s3 =	sadd.s32 $0x88, s3;
	s6 =	simm.s32 @!p1 $0x1082;
	[sflag:s4] =	ssyncset.s32 $0xFFFFF086  }
0x25: {  	[simem:s6], [sflag:s4] =	dma.local [hbm:s3], $0xF7A  }
0x26: {  	[smem:$0x3F9C] =	sst s1;
	(tag) =	ssettag s2;
	_ =	strace s9  }
0x27: {  	s1 =	sld [smem:$0x3FAC]  }
0x28: {  	s2 =	sld [smem:$0x3FAD]  }
0x29: {  	s4 =	sld [smem:$0x3FAF]  }
0x2a: {  	p0 =	seq.s32 s5, $0x0;
	s5 =	sld [smem:$0x3FB0]  }
0x2b: {  	s6 =	sld [smem:$0x3FB1]  }
0x2c: {  	s7 =	sld [smem:$0x3FB2]  }
0x2d: {  	s3 =	simm.s32 $0x108;
	s8 =	sld [smem:$0x3FB3]  }
0x2e: {  	s3 =	simm.s32 @!p0 $0x1082;
	s9 =	sld [smem:$0x3FB4]  }
0x2f: {  	lr =	sadd.s32 s0, s3;
	s0 =	sld [smem:$0x3FAB]  }
0x30: {  	s3 =	sld [smem:$0x3FAE]  }
0x31: {  	[smem:$0x3FB7] =	sst s10  }
0x32: {  	s10 =	sld [smem:$0x3FB5];
	_ =	sdelay $0x3  }
0x33: {  	p0 =	seq.s32 s10, $0x1;
	s10 =	sld [smem:$0x3FB7];
	_ =	sdelay $0x3  }
0x34: {  	[smem:$0x3FB7] =	sst s10  }
0x35: {  	s10 =	sld [smem:$0x3FB6];
	_ =	sdelay $0x3  }
0x36: {  	p1 =	seq.s32 s10, $0x1;
	s10 =	sld [smem:$0x3FB7];
	_ =	sdelay $0x3  }
0x37: {  	[smem:$0x3FB7] =	sst s10  }
0x38: {  	s10 =	sld [smem:$0x3FB8]  }
0x39: {  	_ = 	snop;
	(pc) =	sbr.ind lr, $3  }
0x3a: {  	_ = 	snop  }
0x3b: {  	_ = 	snop  }
0x3c: {  	p2 =	seq.s32 s10, $0x1;
	s10 =	sld [smem:$0x3FB7]  }
0x3d: {  	_ =	shalt  }
0x3e: {  	_ =	shalt  }
0x3f: {  	_ =	shalt  }
0x40: {  	_ =	shalt  }
0x41: {  	_ =	shalt  }
0x42: {  	_ =	shalt  }
0x43: {  	_ =	shalt  }
0x44: {  	_ =	shalt  }
0x45: {  	_ =	shalt  }
0x46: {  	_ =	shalt  }
0x47: {  	_ =	shalt  }
0x48: {  	_ =	shalt  }
0x49: {  	_ =	shalt  }
0x4a: {  	_ =	shalt  }
0x4b: {  	_ =	shalt  }
0x4c: {  	_ =	shalt  }
0x4d: {  	_ =	shalt  }
0x4e: {  	_ =	shalt  }
0x4f: {  	_ =	shalt  }
0x50: {  	_ =	shalt  }
0x51: {  	_ =	shalt  }
0x52: {  	_ =	shalt  }
0x53: {  	_ =	shalt  }
0x54: {  	_ =	shalt  }
0x55: {  	_ =	shalt  }
0x56: {  	_ =	shalt  }
0x57: {  	_ =	shalt  }
0x58: {  	_ =	shalt  }
0x59: {  	_ =	shalt  }
0x5a: {  	_ =	shalt  }
0x5b: {  	_ =	shalt  }
0x5c: {  	_ =	shalt  }
0x5d: {  	_ =	shalt  }
0x5e: {  	_ =	shalt  }
0x5f: {  	_ =	shalt  }
0x60: {  	_ =	shalt  }
0x61: {  	_ =	shalt  }
0x62: {  	_ =	shalt  }
0x63: {  	_ =	shalt  }
0x64: {  	_ =	shalt  }
0x65: {  	_ =	shalt  }
0x66: {  	_ =	shalt  }
0x67: {  	_ =	shalt  }
0x68: {  	_ =	shalt  }
0x69: {  	_ =	shalt  }
0x6a: {  	_ =	shalt  }
0x6b: {  	_ =	shalt  }
0x6c: {  	_ =	shalt  }
0x6d: {  	_ =	shalt  }
0x6e: {  	_ =	shalt  }
0x6f: {  	_ =	shalt  }
0x70: {  	_ =	shalt  }
0x71: {  	_ =	shalt  }
0x72: {  	_ =	shalt  }
0x73: {  	_ =	shalt  }
0x74: {  	_ =	shalt  }
0x75: {  	_ =	shalt  }
0x76: {  	_ =	shalt  }
0x77: {  	_ =	shalt  }
0x78: {  	_ =	shalt  }
0x79: {  	_ =	shalt  }
0x7a: {  	_ =	shalt  }
0x7b: {  	_ =	shalt  }
0x7c: {  	_ =	shalt  }
0x7d: {  	_ =	shalt  }
0x7e: {  	_ =	shalt  }
0x7f: {  	_ =	shalt  }
0x80: {  	_ =	shalt  }
0x81: {  	_ =	shalt  }
0x82: {  	_ =	shalt  }
0x83: {  	_ =	shalt  }
0x84: {  	_ =	shalt  }
0x85: {  	_ =	shalt  }
0x86: {  	_ =	shalt  }
0x87: {  	_ =	shalt  }
.Lfunc_end0:
.L_simem_size_0:
called_computation_lowered:
.L_overlay_start_0:
0x88: {  	s2 =	sld [smem:$0x3FD9]  }
0x89: {  	s3 =	sld [smem:$0x3FFE];
	_ =	sdelay $0x1  }
0x8a: {  	s1 =	srdreg.scid  }
0x8b: {  	s0 =	sand.u32 $0x1, s1  }
0x8c: {  	s14 =	sshll.u32 s0, $0xA;
	s2 =	sadd.s32 s3, s2  }
0x8d: {  	s2 =	sadd.s32 s2, s14  }
0x8e: {  	[smem:$0x3FC3] =	sst s2  }
0x8f: {  	_ = 	snop  }
0x90: {  	s2 =	sld [smem:$0x3FD0];
	_ =	sdelay $0x2  }
0x91: {  	s15 =	simm.s32 $0xA;
	s4 =	simm.s32 $0x10  }
0x92: {  	[smem:s4], [sflag:s15] =	dma.local [hbm:s2], $0x1  }
0x93: {  	_ =	swait.eq [sflag:s15], $0x1  }
0x94: {  	[sflag:s15] =	ssyncset.done $0x0  }
0x95: {  	[sflag:s15] =	ssyncadd.s32 $0xFFFFFFFF  }
0x96: {  	s16 =	sld [smem:$0x10];
	(tm) =	ssettm $0x1  }
0x97: {  	s17 =	sld [smem:$0x3FFB];
	_ =	sdelay $0x3  }
0x98: {  	_ =	strace s17  }
0x99: {  	s3 =	sld [smem:$0x3FFC];
	_ =	sdelay $0x3  }
0x9a: {  	_ =	strace s3  }
0x9b: {  	s3 =	sld [smem:$0x3FFD];
	_ =	sdelay $0x3  }
0x9c: {  	_ =	strace s3  }
0x9d: {  	_ =	strace $0x8FFFFFFF  }
0x9e: {  	s18 =	sld [smem:$0x3FDB];
	_ =	sdelay $0x1  }
0x9f: {  	s19 =	simm.s32 $_scs_section_size  }
0xa0: {  	s5 =	simm.s32 $_size__tile_overlayer_lowered;
	s6 =	simm.s32 $_tile_overlayer_lowered  }
0xa1: {  	s22 =	simm.s32 $0x1BFF;
	s21 =	sshll.u32 s6, $0x1;
	s3 =	sadd.s32 s19, s18  }
0xa2: {  	s7 =	simm.s32 $0x0;
	s20 =	sshll.u32 s5, $0x1;
	s5 =	sadd.s32 s21, s3  }
0xa3: {  	[timem:s7], [sflag:s22] =	dma.local [hbm:s5], s20  }
0xa4: {  	_ =	swait.ge [sflag:s22], s20  }
0xa5: {  	s4 =	ssub.s32 $0x0, s20;
	[sflag:s22] =	ssyncset.done $0x0  }
0xa6: {  	[sflag:s22] =	ssyncadd.s32 s4;
	_ =	sdelay $0x1  }
0xa7: {  	s23 =	simm.s32 $0x1B8B  }
0xa8: {  	_ =	swait.ge [sflag:s23], $0x1  }
0xa9: {  	[sflag:s23] =	ssyncset.done $0x0  }
0xaa: {  	s25 =	simm.s32 $0x1B8E;
	s24 =	sld [smem:$0x3FFE];
	[sflag:s23] =	ssyncadd.s32 $0xFFFFFFFF  }
0xab: {  	s26 =	simm.s32 $execute0_lowered;
	[smem:$0x3FD2] =	sst s25  }
0xac: {  	s5 =	sshll.u32 s26, $0x1;
	_ =	strace $0x80000046;
	[dreg:$0x1] =	wrdreg $0xFFFFFFFF  }
0xad: {  	s28 =	simm.s32 $_size_execute0_lowered;
	s3 =	sadd.s32 s3, s5;
	[dreg:$0x0] =	wrdreg $0x0  }
0xae: {  	s5 =	sshll.u32 s28, $0x1;
	[dreg:$0x2] =	wrdreg s3  }
0xaf: {  	[dreg:$0x3] =	wrdreg s5  }
0xb0: {  	[dreg:$0x4] =	wrdreg $0xC0  }
0xb1: {  	_ =	task [dreg:s7], $0x5FFFF  }
0xb2: {  	[dreg:$0x1] =	wrdreg $0xFFFFFFFF  }
0xb3: {  	[dreg:$0x0] =	wrdreg $0x60  }
0xb4: {  	[dreg:$0x2] =	wrdreg s24  }
0xb5: {  	[dreg:$0x3] =	wrdreg s16  }
0xb6: {  	[dreg:$0x4] =	wrdreg $0x9  }
0xb7: {  	_ =	task.clear_ibuf [dreg:s7], $0x5FFFF;
	_ =	strace $0x90000046  }
0xb8: {  	s29 =	simm.s32 $0x9;
	_ =	strace $0x80000048  }
0xb9: {  	_ =	swait.ge [sflag:s29], $0x1  }
0xba: {  	[sflag:s29] =	ssyncadd.s32 $0xFFFFFFFF  }
0xbb: {  	_ =	strace $0x90000048  }
0xbc: {  	_ =	sfence  }
0xbd: {  	s30 =	sld [smem:$0x0];
	_ =	sdelay $0x2  }
0xbe: {  	s31 =	sshll.u32 s1, $0xD;
	s1 =	sshrl.u32 s1, $0x2  }
0xbf: {  	s3 =	sand.u32 $0x4000, s31;
	s1 =	sadd.s32 s1, s30  }
0xc0: {  	s0 =	sor.u32 s3, s0;
	s1 =	sshll.u32 s1, $0x11  }
0xc1: {  	s0 =	sor.u32 s1, s0  }
0xc2: {  	s0 =	sadd.s32 $0x8F2B, s0  }
0xc3: {  	[sflag:s0] =	ssyncadd.remote.s32 $0x1  }
0xc4: {  	_ =	sfence.sel $0xFFFF  }
0xc5: {  	[dreg:$0x0] =	wrdreg $0xFFFFFFFF;
	(pc) =	sbr.abs _section_cstart, $3  }
0xc6: {  	[dreg:$0x1] =	wrdreg $0xFFFFFFFF  }
0xc7: {  	_ =	task.clear_ibuf [dreg:s7], $0x2FFFF;
	_ =	strace $0x9FFFFFFF  }
0xc8: {  	(tm) =	ssettm $0x7FFFFFFF  }
0xc9: {  	_ =	shalt  }
tec
execute0_lowered:
.L_overlay_start_1:
0x0: {  	(tag) =	ssettag $0x1  }
0x1: {  	s0 =	srdreg.scid  }
0x2: {  	s12 =	stileid.u32;
	s2 =	rddreg [dreg:$0x0]  }
0x3: {  	s8 =	rddreg [dreg:$0x1];
	s9 =	smul.u32 $0x190000, s12  }
0x4: {  	s1 =	sshll.u32 s12, $0x1;
	s6 =	sshrl.u32 s12, $0x2;
	s12 =	smul.u32 $0xC800, s12  }
0x5: {  	s3 =	simm.s32 $0x0;
	s14 =	simm.s32 $0xA000;
	s13 =	smul.u32 $0x50, s6  }
0x6: {  	s19 =	simm.s32 $0x2;
	s0 =	sand.u32 $0x1, s0;
	s4 =	smul.u32 $0xA000, s6  }
0x7: {  	s20 =	simm.s32 $0x19000;
	s28 =	simm.s32 $0x1C000;
	s10 =	smul.u32 $0xC8000, s0  }
0x8: {  	s29 =	simm.s32 $0x1C800;
	s30 =	simm.s32 $0x1D000;
	s11 =	smul.u32 $0x32000, s6  }
0x9: {  	s1 =	sor.u32 s0, s1;
	s7 =	ssub.s32 $0x2, s0;
	s0 =	smul.u32 $0x6400, s0  }
0xa: {  	s31 =	simm.s32 $0x1D800;
	[smem:$0x7FF] =	sst s3;
	s6 =	smul.u32 $0x1900, s6  }
0xb: {  	s5 =	sadd.s32 $0x49000, s2;
	_ =	strace $0x80000047;
	s1 =	smul.u32 $0x1400, s1  }
0xc: {  	s23 =	sshrl.u32 s7, $0x1;
	s24 =	sadd.s32 s9, s8;
	s9 =	simm.s32 $0x14000  }
0xd: {  	s0 =	sadd.s32 s0, s12;
	s25 =	sor.u32 $0x5, s13;
	[dreg:$0x3] =	wrdreg s13  }
0xe: {  	s26 =	sor.u32 $0x4, s13;
	s12 =	simm.s32 $0x0;
	s1 =	sadd.s32 s1, s2  }
0xf: {  	s2 =	ssub.s32 s7, s23;
	s7 =	sshrl.u32 s4, $0x2;
	[dreg:$0x6] =	wrdreg s25  }
0x10: {  	s0 =	sadd.s32 s6, s0;
	[dreg:$0x7] =	wrdreg s26;
	s26 =	simm.s32 $0xF800  }
0x11: {  	s6 =	simm.s32 $0x4;
	s1 =	sadd.s32 $0x21000, s1;
	s2 =	smax.u32 s2, $0x1  }
.Ltmp0:
0x12: {  	s0 =	sshll.u32 s0, $0x5;
	[dreg:$0x4] =	wrdreg s1;
	(pc) =	sbr.rel .LBB2_1-.Ltmp0, $4  }
0x13: {  	[dreg:$0x5] =	wrdreg s2;
	s1 =	sadd.s32 s10, s24;
	s0 =	sadd.s32 s0, s8  }
0x14: {  	v2 =	vlaneseq.u32;
	s24 =	simm.s32 $0xF000;
	s8 =	simm.s32 $0x1;
	s1 =	sadd.s32 s11, s1  }
0x15: {  	vm0 =	vmmov $0xffff;
	v1 =	vshrl.u32 v2, $0x3;
	s10 =	simm.s32 $0x6;
	[dreg:$0x9] =	wrdreg s0;
	s1 =	sadd.s32 $0x1E00, s1  }
0x16: {  	v0 =	vand.u32 $0x7, v2;
	v2 =	vor.u32 $0x8, v2;
	v1 =	vmul.u32 $0x8, v1;
	s0 =	simm.s32 $0x5;
	[dreg:$0x8] =	wrdreg s1;
	s1 =	simm.s32 $0x3  }
.LBB2_6:
0x17: {  	s2 =	simm.s32 $0x7  }
0x18: {  	_ =	swait.ge [sflag:s2], $0x5000  }
0x19: {  	[sflag:s2] =	ssyncset.done $0x0  }
0x1a: {  	s11 =	simm.s32 $0x8;
	[sflag:s2] =	ssyncadd.s32 $0xFFFFB000  }
0x1b: {  	_ =	swait.ge [sflag:s11], $0x5000  }
0x1c: {  	s12 =	rddreg [dreg:$0xa]  }
0x1d: {  	s25 =	rddreg [dreg:$0x5];
	s12 =	sadd.s32 $0x1, s12  }
0x1e: {  	p0 =	sne.s32 s12, s25  }
.Ltmp1:
0x1f: {  	_ = 	snop;
	(pc) =	sbr.rel @!p0 .LBB2_7-.Ltmp1, $3  }
0x20: {  	_ =	sdelay $0x1  }
0x21: {  	[sflag:s11] =	ssyncset.done $0x0  }
0x22: {  	[sflag:s11] =	ssyncadd.s32 $0xFFFFB000  }
.LBB2_1:
0x23: {  	[dreg:$0xa] =	wrdreg s12  }
0x24: {  	s2 =	rddreg [dreg:$0x4];
	s16 =	simm.s32 $0x9  }
0x25: {  	[tilespmem:s3], [sflag:$0x9] =	stream.linear.gather [hbm4b:s2+s3], $0xA000, $0x38;
	[tilespmem:$0x1E000] =	vst v63  }
0x26: {  	_ =	swait.ge [sflag:s16], $0xA000  }
0x27: {  	[sflag:s16] =	ssyncset.done $0x0  }
0x28: {  	[sflag:s16] =	ssyncadd.s32 $0xFFFF6000  }
0x29: {  	v3 =	vld [tilespmem:s7+$0x0];
	_ =	sdelay $0x4  }
0x2a: {  	v4 =	vshll.u32 v3, $0x1  }
0x2b: {  	v3 =	vand.u32 $0x7, v3;
	v4 =	vand.u32 $0xFFFFFFF0, v4  }
0x2c: {  	v3 =	vor.u32 v3, v4  }
0x2d: {  	v4 =	vperm.xlane v3, v0;
	_ =	sdelay $0x1  }
0x2e: {  	v3 =	vperm.xlane v3, v2;
	v4 =	vadd.s32 v1, v4;
	_ =	sdelay $0x1  }
0x2f: {  	v3 =	vadd.s32 v1, v3;
	_ =	sdelay $0x2  }
0x30: {  	[tilespmem:s14], [sflag:$0x1] =	stream.indirect_vreg.gather [hbm4b:s5+s3], $0x80, v4, vm0, $0xb8;
	[tilespmem:$0x1E000] =	vst v63  }
0x31: {  	s17 =	simm.s32 $0xA800  }
0x32: {  	[tilespmem:s17], [sflag:$0x1] =	stream.indirect_vreg.gather [hbm4b:s5+s3], $0x80, v3, vm0, $0xb8;
	[tilespmem:$0x1E000] =	vst v63  }
0x33: {  	v3 =	vld [tilespmem:s7+$0x10];
	_ =	sdelay $0x4  }
0x34: {  	v55 =	vshll.u32 v3, $0x1  }
0x35: {  	v3 =	vand.u32 $0x7, v3;
	v4 =	vand.u32 $0xFFFFFFF0, v55  }
0x36: {  	v3 =	vor.u32 v3, v4  }
0x37: {  	v4 =	vperm.xlane v3, v0;
	_ =	sdelay $0x1  }
0x38: {  	v3 =	vperm.xlane v3, v2;
	v4 =	vadd.s32 v1, v4;
	_ =	sdelay $0x1  }
0x39: {  	v3 =	vadd.s32 v1, v3;
	_ =	sdelay $0x1  }
0x3a: {  	s18 =	simm.s32 $0xB000  }
0x3b: {  	[tilespmem:s18], [sflag:$0x1] =	stream.indirect_vreg.gather [hbm4b:s5+s3], $0x80, v4, vm0, $0xb8;
	[tilespmem:$0x1E000] =	vst v63  }
0x3c: {  	s21 =	simm.s32 $0xB800  }
0x3d: {  	[tilespmem:s21], [sflag:$0x1] =	stream.indirect_vreg.gather [hbm4b:s5+s3], $0x80, v3, vm0, $0xb8;
	[tilespmem:$0x1E000] =	vst v63  }
0x3e: {  	v3 =	vld [tilespmem:s7+$0x20];
	_ =	sdelay $0x4  }
0x3f: {  	v56 =	vshll.u32 v3, $0x1  }
0x40: {  	v3 =	vand.u32 $0x7, v3;
	v4 =	vand.u32 $0xFFFFFFF0, v56  }
0x41: {  	v3 =	vor.u32 v3, v4  }
0x42: {  	v4 =	vperm.xlane v3, v0;
	_ =	sdelay $0x1  }
0x43: {  	v3 =	vperm.xlane v3, v2;
	v4 =	vadd.s32 v1, v4;
	_ =	sdelay $0x1  }
0x44: {  	v3 =	vadd.s32 v1, v3;
	_ =	sdelay $0x1  }
0x45: {  	s22 =	simm.s32 $0xC000  }
0x46: {  	[tilespmem:s22], [sflag:$0x1] =	stream.indirect_vreg.gather [hbm4b:s5+s3], $0x80, v4, vm0, $0xb8;
	[tilespmem:$0x1E000] =	vst v63  }
0x47: {  	s23 =	simm.s32 $0xC800  }
0x48: {  	[tilespmem:s23], [sflag:$0x1] =	stream.indirect_vreg.gather [hbm4b:s5+s3], $0x80, v3, vm0, $0xb8;
	[tilespmem:$0x1E000] =	vst v63  }
0x49: {  	v3 =	vld [tilespmem:s7+$0x30];
	_ =	sdelay $0x4  }
0x4a: {  	v57 =	vshll.u32 v3, $0x1  }
0x4b: {  	v3 =	vand.u32 $0x7, v3;
	v4 =	vand.u32 $0xFFFFFFF0, v57  }
0x4c: {  	v3 =	vor.u32 v3, v4  }
0x4d: {  	v4 =	vperm.xlane v3, v0;
	_ =	sdelay $0x1  }
0x4e: {  	v3 =	vperm.xlane v3, v2;
	v4 =	vadd.s32 v1, v4;
	_ =	sdelay $0x1  }
0x4f: {  	v3 =	vadd.s32 v1, v3;
	_ =	sdelay $0x1  }
0x50: {  	s25 =	simm.s32 $0xD000  }
0x51: {  	[tilespmem:s25], [sflag:$0x1] =	stream.indirect_vreg.gather [hbm4b:s5+s3], $0x80, v4, vm0, $0xb8;
	[tilespmem:$0x1E000] =	vst v63  }
0x52: {  	s11 =	simm.s32 $0xD800  }
0x53: {  	[tilespmem:s11], [sflag:$0x1] =	stream.indirect_vreg.gather [hbm4b:s5+s3], $0x80, v3, vm0, $0xb8;
	[tilespmem:$0x1E000] =	vst v63  }
0x54: {  	v3 =	vld [tilespmem:s7+$0x40];
	_ =	sdelay $0x4  }
0x55: {  	v58 =	vshll.u32 v3, $0x1  }
0x56: {  	v3 =	vand.u32 $0x7, v3;
	v4 =	vand.u32 $0xFFFFFFF0, v58  }
0x57: {  	v3 =	vor.u32 v3, v4  }
0x58: {  	v4 =	vperm.xlane v3, v0;
	_ =	sdelay $0x1  }
0x59: {  	v3 =	vperm.xlane v3, v2;
	v4 =	vadd.s32 v1, v4;
	_ =	sdelay $0x1  }
0x5a: {  	v3 =	vadd.s32 v1, v3;
	_ =	sdelay $0x1  }
0x5b: {  	s12 =	simm.s32 $0xE000  }
0x5c: {  	[tilespmem:s12], [sflag:$0x1] =	stream.indirect_vreg.gather [hbm4b:s5+s3], $0x80, v4, vm0, $0xb8;
	[tilespmem:$0x1E000] =	vst v63  }
0x5d: {  	s13 =	simm.s32 $0xE800  }
0x5e: {  	[tilespmem:s13], [sflag:$0x1] =	stream.indirect_vreg.gather [hbm4b:s5+s3], $0x80, v3, vm0, $0xb8;
	[tilespmem:$0x1E000] =	vst v63  }
0x5f: {  	v3 =	vld [tilespmem:s7+$0x80];
	_ =	sdelay $0x4  }
0x60: {  	v59 =	vshll.u32 v3, $0x1  }
0x61: {  	v3 =	vand.u32 $0x7, v3;
	v4 =	vand.u32 $0xFFFFFFF0, v59  }
0x62: {  	v3 =	vor.u32 v3, v4  }
0x63: {  	v4 =	vperm.xlane v3, v0;
	_ =	sdelay $0x1  }
0x64: {  	v3 =	vperm.xlane v3, v2;
	v4 =	vadd.s32 v1, v4;
	_ =	sdelay $0x1  }
0x65: {  	v3 =	vadd.s32 v1, v3;
	_ =	sdelay $0x2  }
0x66: {  	[tilespmem:s24], [sflag:$0x2] =	stream.indirect_vreg.gather [hbm4b:s5+s3], $0x80, v4, vm0, $0xb8;
	[tilespmem:$0x1E000] =	vst v63  }
0x67: {  	_ = 	snop  }
0x68: {  	[tilespmem:s26], [sflag:$0x2] =	stream.indirect_vreg.gather [hbm4b:s5+s3], $0x80, v3, vm0, $0xb8;
	[tilespmem:$0x1E000] =	vst v63  }
0x69: {  	v3 =	vld [tilespmem:s7+$0x90];
	_ =	sdelay $0x4  }
0x6a: {  	v60 =	vshll.u32 v3, $0x1  }
0x6b: {  	v3 =	vand.u32 $0x7, v3;
	v4 =	vand.u32 $0xFFFFFFF0, v60  }
0x6c: {  	v3 =	vor.u32 v3, v4  }
0x6d: {  	v4 =	vperm.xlane v3, v0;
	_ =	sdelay $0x1  }
0x6e: {  	v3 =	vperm.xlane v3, v2;
	v4 =	vadd.s32 v1, v4;
	_ =	sdelay $0x1  }
0x6f: {  	v3 =	vadd.s32 v1, v3;
	_ =	sdelay $0x1  }
0x70: {  	s15 =	simm.s32 $0x10000  }
0x71: {  	[tilespmem:s15], [sflag:$0x2] =	stream.indirect_vreg.gather [hbm4b:s5+s3], $0x80, v4, vm0, $0xb8;
	[tilespmem:$0x1E000] =	vst v63  }
0x72: {  	s16 =	simm.s32 $0x10800  }
0x73: {  	[tilespmem:s16], [sflag:$0x2] =	stream.indirect_vreg.gather [hbm4b:s5+s3], $0x80, v3, vm0, $0xb8;
	[tilespmem:$0x1E000] =	vst v63  }
0x74: {  	v3 =	vld [tilespmem:s7+$0xA0];
	_ =	sdelay $0x4  }
0x75: {  	v61 =	vshll.u32 v3, $0x1  }
0x76: {  	v3 =	vand.u32 $0x7, v3;
	v4 =	vand.u32 $0xFFFFFFF0, v61  }
0x77: {  	v3 =	vor.u32 v3, v4  }
0x78: {  	v4 =	vperm.xlane v3, v0;
	_ =	sdelay $0x1  }
0x79: {  	v3 =	vperm.xlane v3, v2;
	v4 =	vadd.s32 v1, v4;
	_ =	sdelay $0x1  }
0x7a: {  	v3 =	vadd.s32 v1, v3;
	_ =	sdelay $0x1  }
0x7b: {  	s17 =	simm.s32 $0x11000  }
0x7c: {  	[tilespmem:s17], [sflag:$0x2] =	stream.indirect_vreg.gather [hbm4b:s5+s3], $0x80, v4, vm0, $0xb8;
	[tilespmem:$0x1E000] =	vst v63  }
0x7d: {  	s18 =	simm.s32 $0x11800  }
0x7e: {  	[tilespmem:s18], [sflag:$0x2] =	stream.indirect_vreg.gather [hbm4b:s5+s3], $0x80, v3, vm0, $0xb8;
	[tilespmem:$0x1E000] =	vst v63  }
0x7f: {  	v3 =	vld [tilespmem:s7+$0xB0];
	_ =	sdelay $0x4  }
0x80: {  	v62 =	vshll.u32 v3, $0x1  }
0x81: {  	v3 =	vand.u32 $0x7, v3;
	v4 =	vand.u32 $0xFFFFFFF0, v62  }
0x82: {  	v3 =	vor.u32 v3, v4  }
0x83: {  	v4 =	vperm.xlane v3, v0;
	_ =	sdelay $0x1  }
0x84: {  	v3 =	vperm.xlane v3, v2;
	v4 =	vadd.s32 v1, v4;
	_ =	sdelay $0x1  }
0x85: {  	v3 =	vadd.s32 v1, v3;
	_ =	sdelay $0x1  }
0x86: {  	s21 =	simm.s32 $0x12000  }
0x87: {  	[tilespmem:s21], [sflag:$0x2] =	stream.indirect_vreg.gather [hbm4b:s5+s3], $0x80, v4, vm0, $0xb8;
	[tilespmem:$0x1E000] =	vst v63  }
0x88: {  	s22 =	simm.s32 $0x12800  }
0x89: {  	[tilespmem:s22], [sflag:$0x2] =	stream.indirect_vreg.gather [hbm4b:s5+s3], $0x80, v3, vm0, $0xb8;
	[tilespmem:$0x1E000] =	vst v63  }
0x8a: {  	v3 =	vld [tilespmem:s7+$0xC0];
	_ =	sdelay $0x4  }
0x8b: {  	v63 =	vshll.u32 v3, $0x1  }
0x8c: {  	v3 =	vand.u32 $0x7, v3;
	v4 =	vand.u32 $0xFFFFFFF0, v63  }
0x8d: {  	v3 =	vor.u32 v3, v4  }
0x8e: {  	v4 =	vperm.xlane v3, v0;
	_ =	sdelay $0x1  }
0x8f: {  	v3 =	vperm.xlane v3, v2;
	v4 =	vadd.s32 v1, v4  }
0x90: {  	s2 =	rddreg [dreg:$0x8]  }
0x91: {  	s11 =	rddreg [dreg:$0x9];
	v3 =	vadd.s32 v1, v3  }
0x92: {  	s12 =	rddreg [dreg:$0x3]  }
0x93: {  	s23 =	simm.s32 $0x13000;
	s13 =	rddreg [dreg:$0x7]  }
0x94: {  	[tilespmem:s23], [sflag:$0x2] =	stream.indirect_vreg.gather [hbm4b:s5+s3], $0x80, v4, vm0, $0xb8;
	[tilespmem:$0x1E000] =	vst v63  }
0x95: {  	s25 =	simm.s32 $0x13800;
	s15 =	rddreg [dreg:$0x6];
	s16 =	simm.s32 $0x0  }
0x96: {  	[tilespmem:s25], [sflag:$0x2] =	stream.indirect_vreg.gather [hbm4b:s5+s3], $0x80, v3, vm0, $0xb8;
	[tilespmem:$0x1E000] =	vst v63  }
.LBB2_2:
0x97: {  	s17 =	smulhi.u32 $0xCCCCCCCD, s12;
	_ =	sdelay $0x1  }
0x98: {  	s17 =	sshrl.u32 s17, $0x8  }
0x99: {  	_ =	swait.ge [sflag:s8], $0x5000;
	s18 =	smul.u32 $0xFFF38000, s17  }
0x9a: {  	p0 =	seq.s32 s16, $0x0;
	[sflag:s8] =	ssyncset.done $0x0  }
0x9b: {  	[sflag:s8] =	ssyncadd.s32 $0xFFFFB000;
	s21 =	smul.u32 $0xFFFD8000, s17;
	s22 =	sadd.s32 s18, s11  }
0x9c: {  	[hbm4b:s22+s3] =	stream.linear.scatter [tilespmem:s14], [sflag:$0x5], $0x5000, $0x38;
	[tilespmem:$0x1E000] =	vst v63  }
0x9d: {  	s21 =	sshra.s32 s21, $0x2;
	s22 =	simm.s32 @!p0 $0x7  }
0x9e: {  	s21 =	sor.u32 $0x100, s21;
	_ =	swait.ge @!p0 [sflag:s22], $0x5000  }
0x9f: {  	s23 =	sshra.s32 s16, $0x2;
	s21 =	sadd.s32 s7, s21;
	[sflag:s22] =	ssyncset.done @!p0 $0x0  }
0xa0: {  	s21 =	sadd.s32 s23, s21;
	[sflag:s22] =	ssyncadd.s32 @!p0 $0xFFFFB000  }
0xa1: {  	v3 =	vld [tilespmem:s21+$0x0];
	_ =	sdelay $0x4  }
0xa2: {  	v4 =	vshll.u32 v3, $0x1  }
0xa3: {  	v3 =	vand.u32 $0x7, v3;
	v4 =	vand.u32 $0xFFFFFFF0, v4  }
0xa4: {  	v3 =	vor.u32 v3, v4  }
0xa5: {  	v4 =	vperm.xlane v3, v0;
	_ =	sdelay $0x1  }
0xa6: {  	v3 =	vperm.xlane v3, v2;
	v4 =	vadd.s32 v1, v4;
	_ =	sdelay $0x1  }
0xa7: {  	v3 =	vadd.s32 v1, v3;
	_ =	sdelay $0x1  }
0xa8: {  	s22 =	smul.u32 $0x28000, s17  }
0xa9: {  	[tilespmem:s9], [sflag:$0x3] =	stream.indirect_vreg.gather [hbm4b:s5+s3], $0x80, v4, vm0, $0xb8;
	[tilespmem:$0x1E000] =	vst v63  }
0xaa: {  	s17 =	simm.s32 $0x14800;
	s25 =	ssub.s32 $0x440, s22  }
0xab: {  	[tilespmem:s17], [sflag:$0x3] =	stream.indirect_vreg.gather [hbm4b:s5+s3], $0x80, v3, vm0, $0xb8;
	[tilespmem:$0x1E000] =	vst v63  }
0xac: {  	s25 =	sshra.s32 s25, $0x2;
	s17 =	sadd.s32 s23, s7  }
0xad: {  	s23 =	sadd.s32 s25, s17  }
0xae: {  	v3 =	vld [tilespmem:s23+$0x0];
	_ =	sdelay $0x4  }
0xaf: {  	v55 =	vshll.u32 v3, $0x1  }
0xb0: {  	v3 =	vand.u32 $0x7, v3;
	v4 =	vand.u32 $0xFFFFFFF0, v55  }
0xb1: {  	v3 =	vor.u32 v3, v4  }
0xb2: {  	v4 =	vperm.xlane v3, v0;
	_ =	sdelay $0x1  }
0xb3: {  	v3 =	vperm.xlane v3, v2;
	v4 =	vadd.s32 v1, v4;
	_ =	sdelay $0x1  }
0xb4: {  	v3 =	vadd.s32 v1, v3  }
0xb5: {  	s23 =	ssub.s32 $0x480, s22  }
0xb6: {  	s25 =	simm.s32 $0x15000;
	s23 =	sshra.s32 s23, $0x2  }
0xb7: {  	[tilespmem:s25], [sflag:$0x3] =	stream.indirect_vreg.gather [hbm4b:s5+s3], $0x80, v4, vm0, $0xb8;
	[tilespmem:$0x1E000] =	vst v63  }
0xb8: {  	s23 =	sadd.s32 s23, s17;
	s25 =	simm.s32 $0x15800  }
0xb9: {  	[tilespmem:s25], [sflag:$0x3] =	stream.indirect_vreg.gather [hbm4b:s5+s3], $0x80, v3, vm0, $0xb8;
	[tilespmem:$0x1E000] =	vst v63  }
0xba: {  	v3 =	vld [tilespmem:s23+$0x0];
	_ =	sdelay $0x4  }
0xbb: {  	v56 =	vshll.u32 v3, $0x1  }
0xbc: {  	v3 =	vand.u32 $0x7, v3;
	v4 =	vand.u32 $0xFFFFFFF0, v56  }
0xbd: {  	v3 =	vor.u32 v3, v4  }
0xbe: {  	v4 =	vperm.xlane v3, v0;
	_ =	sdelay $0x1  }
0xbf: {  	v3 =	vperm.xlane v3, v2;
	v4 =	vadd.s32 v1, v4;
	_ =	sdelay $0x1  }
0xc0: {  	v3 =	vadd.s32 v1, v3  }
0xc1: {  	s23 =	ssub.s32 $0x4C0, s22  }
0xc2: {  	s25 =	simm.s32 $0x16000;
	s23 =	sshra.s32 s23, $0x2  }
0xc3: {  	[tilespmem:s25], [sflag:$0x3] =	stream.indirect_vreg.gather [hbm4b:s5+s3], $0x80, v4, vm0, $0xb8;
	[tilespmem:$0x1E000] =	vst v63  }
0xc4: {  	s23 =	sadd.s32 s23, s17;
	s25 =	simm.s32 $0x16800  }
0xc5: {  	[tilespmem:s25], [sflag:$0x3] =	stream.indirect_vreg.gather [hbm4b:s5+s3], $0x80, v3, vm0, $0xb8;
	[tilespmem:$0x1E000] =	vst v63  }
0xc6: {  	v3 =	vld [tilespmem:s23+$0x0];
	_ =	sdelay $0x4  }
0xc7: {  	v57 =	vshll.u32 v3, $0x1  }
0xc8: {  	v3 =	vand.u32 $0x7, v3;
	v4 =	vand.u32 $0xFFFFFFF0, v57  }
0xc9: {  	v3 =	vor.u32 v3, v4  }
0xca: {  	v4 =	vperm.xlane v3, v0;
	_ =	sdelay $0x1  }
0xcb: {  	v3 =	vperm.xlane v3, v2;
	v4 =	vadd.s32 v1, v4;
	_ =	sdelay $0x1  }
0xcc: {  	v3 =	vadd.s32 v1, v3  }
0xcd: {  	s23 =	ssub.s32 $0x500, s22  }
0xce: {  	s25 =	simm.s32 $0x17000;
	s23 =	sshra.s32 s23, $0x2  }
0xcf: {  	[tilespmem:s25], [sflag:$0x3] =	stream.indirect_vreg.gather [hbm4b:s5+s3], $0x80, v4, vm0, $0xb8;
	[tilespmem:$0x1E000] =	vst v63  }
0xd0: {  	s23 =	sadd.s32 s23, s17;
	s25 =	simm.s32 $0x17800  }
0xd1: {  	[tilespmem:s25], [sflag:$0x3] =	stream.indirect_vreg.gather [hbm4b:s5+s3], $0x80, v3, vm0, $0xb8;
	[tilespmem:$0x1E000] =	vst v63  }
0xd2: {  	v3 =	vld [tilespmem:s23+$0x0];
	_ =	sdelay $0x4  }
0xd3: {  	v58 =	vshll.u32 v3, $0x1  }
0xd4: {  	v3 =	vand.u32 $0x7, v3;
	v4 =	vand.u32 $0xFFFFFFF0, v58  }
0xd5: {  	v3 =	vor.u32 v3, v4  }
0xd6: {  	v4 =	vperm.xlane v3, v0;
	_ =	sdelay $0x1  }
0xd7: {  	v3 =	vperm.xlane v3, v2;
	v4 =	vadd.s32 v1, v4;
	_ =	sdelay $0x1  }
0xd8: {  	v3 =	vadd.s32 v1, v3;
	_ =	sdelay $0x1  }
0xd9: {  	s25 =	simm.s32 $0x18000  }
0xda: {  	[tilespmem:s25], [sflag:$0x3] =	stream.indirect_vreg.gather [hbm4b:s5+s3], $0x80, v4, vm0, $0xb8;
	[tilespmem:$0x1E000] =	vst v63  }
0xdb: {  	s25 =	simm.s32 $0x18800  }
0xdc: {  	[tilespmem:s25], [sflag:$0x3] =	stream.indirect_vreg.gather [hbm4b:s5+s3], $0x80, v3, vm0, $0xb8;
	[tilespmem:$0x1E000] =	vst v63  }
0xdd: {  	_ =	swait.ge [sflag:s19], $0x5000  }
0xde: {  	s18 =	sadd.s32 s18, s2;
	[sflag:s19] =	ssyncset.done $0x0  }
0xdf: {  	s23 =	simm.s32 @!p0 $0x8;
	s25 =	sadd.s32 $0xFFFFEC00, s18;
	[sflag:s19] =	ssyncadd.s32 $0xFFFFB000  }
0xe0: {  	[hbm4b:s25+s3] =	stream.linear.scatter [tilespmem:s24], [sflag:$0x6], $0x5000, $0x38;
	[tilespmem:$0x1E000] =	vst v63  }
0xe1: {  	s25 =	ssub.s32 $0x600, s22;
	_ =	swait.ge @!p0 [sflag:s23], $0x5000  }
0xe2: {  	s25 =	sshra.s32 s25, $0x2;
	[sflag:s23] =	ssyncset.done @!p0 $0x0  }
0xe3: {  	s25 =	sadd.s32 s25, s17;
	[sflag:s23] =	ssyncadd.s32 @!p0 $0xFFFFB000  }
0xe4: {  	v3 =	vld [tilespmem:s25+$0x0];
	_ =	sdelay $0x4  }
0xe5: {  	v59 =	vshll.u32 v3, $0x1  }
0xe6: {  	v3 =	vand.u32 $0x7, v3;
	v4 =	vand.u32 $0xFFFFFFF0, v59  }
0xe7: {  	v3 =	vor.u32 v3, v4  }
0xe8: {  	v4 =	vperm.xlane v3, v0;
	_ =	sdelay $0x1  }
0xe9: {  	v3 =	vperm.xlane v3, v2;
	v4 =	vadd.s32 v1, v4;
	_ =	sdelay $0x1  }
0xea: {  	v3 =	vadd.s32 v1, v3  }
0xeb: {  	s23 =	ssub.s32 $0x640, s22  }
0xec: {  	s23 =	sshra.s32 s23, $0x2  }
0xed: {  	[tilespmem:s20], [sflag:$0x4] =	stream.indirect_vreg.gather [hbm4b:s5+s3], $0x80, v4, vm0, $0xb8;
	[tilespmem:$0x1E000] =	vst v63  }
0xee: {  	s25 =	simm.s32 $0x19800;
	s23 =	sadd.s32 s23, s17  }
0xef: {  	[tilespmem:s25], [sflag:$0x4] =	stream.indirect_vreg.gather [hbm4b:s5+s3], $0x80, v3, vm0, $0xb8;
	[tilespmem:$0x1E000] =	vst v63  }
0xf0: {  	v3 =	vld [tilespmem:s23+$0x0];
	_ =	sdelay $0x4  }
0xf1: {  	v60 =	vshll.u32 v3, $0x1  }
0xf2: {  	v3 =	vand.u32 $0x7, v3;
	v4 =	vand.u32 $0xFFFFFFF0, v60  }
0xf3: {  	v3 =	vor.u32 v3, v4  }
0xf4: {  	v4 =	vperm.xlane v3, v0;
	_ =	sdelay $0x1  }
0xf5: {  	v3 =	vperm.xlane v3, v2;
	v4 =	vadd.s32 v1, v4;
	_ =	sdelay $0x1  }
0xf6: {  	v3 =	vadd.s32 v1, v3  }
0xf7: {  	s23 =	ssub.s32 $0x680, s22  }
0xf8: {  	s25 =	simm.s32 $0x1A000;
	s23 =	sshra.s32 s23, $0x2  }
0xf9: {  	[tilespmem:s25], [sflag:$0x4] =	stream.indirect_vreg.gather [hbm4b:s5+s3], $0x80, v4, vm0, $0xb8;
	[tilespmem:$0x1E000] =	vst v63  }
0xfa: {  	s23 =	sadd.s32 s23, s17;
	s25 =	simm.s32 $0x1A800  }
0xfb: {  	[tilespmem:s25], [sflag:$0x4] =	stream.indirect_vreg.gather [hbm4b:s5+s3], $0x80, v3, vm0, $0xb8;
	[tilespmem:$0x1E000] =	vst v63  }
0xfc: {  	v3 =	vld [tilespmem:s23+$0x0];
	_ =	sdelay $0x4  }
0xfd: {  	v61 =	vshll.u32 v3, $0x1  }
0xfe: {  	v3 =	vand.u32 $0x7, v3;
	v4 =	vand.u32 $0xFFFFFFF0, v61  }
0xff: {  	v3 =	vor.u32 v3, v4  }
0x100: {  	v4 =	vperm.xlane v3, v0;
	_ =	sdelay $0x1  }
0x101: {  	v3 =	vperm.xlane v3, v2;
	v4 =	vadd.s32 v1, v4;
	_ =	sdelay $0x1  }
0x102: {  	v3 =	vadd.s32 v1, v3  }
0x103: {  	s22 =	ssub.s32 $0x6C0, s22  }
0x104: {  	s22 =	sshra.s32 s22, $0x2;
	s25 =	simm.s32 $0x1B000  }
0x105: {  	[tilespmem:s25], [sflag:$0x4] =	stream.indirect_vreg.gather [hbm4b:s5+s3], $0x80, v4, vm0, $0xb8;
	[tilespmem:$0x1E000] =	vst v63  }
0x106: {  	s22 =	sadd.s32 s22, s17;
	s25 =	simm.s32 $0x1B800  }
0x107: {  	[tilespmem:s25], [sflag:$0x4] =	stream.indirect_vreg.gather [hbm4b:s5+s3], $0x80, v3, vm0, $0xb8;
	[tilespmem:$0x1E000] =	vst v63  }
0x108: {  	v3 =	vld [tilespmem:s22+$0x0];
	_ =	sdelay $0x4  }
0x109: {  	v62 =	vshll.u32 v3, $0x1  }
0x10a: {  	v3 =	vand.u32 $0x7, v3;
	v4 =	vand.u32 $0xFFFFFFF0, v62  }
0x10b: {  	v3 =	vor.u32 v3, v4  }
0x10c: {  	v4 =	vperm.xlane v3, v0;
	_ =	sdelay $0x1  }
0x10d: {  	v3 =	vperm.xlane v3, v2;
	v4 =	vadd.s32 v1, v4;
	_ =	sdelay $0x1  }
0x10e: {  	v3 =	vadd.s32 v1, v3;
	_ =	sdelay $0x2  }
0x10f: {  	[tilespmem:s28], [sflag:$0x4] =	stream.indirect_vreg.gather [hbm4b:s5+s3], $0x80, v4, vm0, $0xb8;
	[tilespmem:$0x1E000] =	vst v63  }
0x110: {  	_ = 	snop  }
0x111: {  	[tilespmem:s29], [sflag:$0x4] =	stream.indirect_vreg.gather [hbm4b:s5+s3], $0x80, v3, vm0, $0xb8;
	[tilespmem:$0x1E000] =	vst v63  }
0x112: {  	v3 =	vld [tilespmem:s21+$0xC0];
	_ =	sdelay $0x4  }
0x113: {  	v63 =	vshll.u32 v3, $0x1  }
0x114: {  	v3 =	vand.u32 $0x7, v3;
	v4 =	vand.u32 $0xFFFFFFF0, v63  }
0x115: {  	v3 =	vor.u32 v3, v4  }
0x116: {  	v4 =	vperm.xlane v3, v0;
	_ =	sdelay $0x1  }
0x117: {  	v3 =	vperm.xlane v3, v2;
	v4 =	vadd.s32 v1, v4;
	_ =	sdelay $0x1  }
0x118: {  	v3 =	vadd.s32 v1, v3;
	_ =	sdelay $0x2  }
0x119: {  	[tilespmem:s30], [sflag:$0x4] =	stream.indirect_vreg.gather [hbm4b:s5+s3], $0x80, v4, vm0, $0xb8;
	[tilespmem:$0x1E000] =	vst v63  }
0x11a: {  	_ = 	snop  }
0x11b: {  	[tilespmem:s31], [sflag:$0x4] =	stream.indirect_vreg.gather [hbm4b:s5+s3], $0x80, v3, vm0, $0xb8;
	[tilespmem:$0x1E000] =	vst v63  }
0x11c: {  	_ =	swait.ge [sflag:s1], $0x5000  }
0x11d: {  	p0 =	seq.s32 s16, $0x27800;
	[sflag:s1] =	ssyncset.done $0x0  }
.Ltmp2:
0x11e: {  	s25 =	sadd.s32 $0xFFFFF600, s18;
	[sflag:s1] =	ssyncadd.s32 $0xFFFFB000;
	(pc) =	sbr.rel @p0 .LBB2_4-.Ltmp2, $4  }
0x11f: {  	[hbm4b:s25+s3] =	stream.linear.scatter [tilespmem:s9], [sflag:$0x7], $0x5000, $0x38;
	[tilespmem:$0x1E000] =	vst v63  }
0x120: {  	_ =	swait.ge [sflag:s0], $0x5000  }
0x121: {  	[sflag:s0] =	ssyncset.done $0x0  }
0x122: {  	[sflag:s0] =	ssyncadd.s32 $0xFFFFB000  }
0x123: {  	s21 =	smulhi.u32 $0xCCCCCCCD, s13;
	_ =	sdelay $0x1  }
0x124: {  	s21 =	sshrl.u32 s21, $0x8  }
0x125: {  	s22 =	smul.u32 $0xFFFD8000, s21;
	_ =	sdelay $0x1  }
0x126: {  	s23 =	sadd.s32 s16, s4;
	s22 =	sshra.s32 s22, $0x2  }
0x127: {  	s23 =	sshra.s32 s23, $0x2;
	s25 =	sor.u32 $0x200, s22  }
0x128: {  	s25 =	sadd.s32 s23, s25  }
0x129: {  	v3 =	vld [tilespmem:s25+$0x0];
	_ =	sdelay $0x4  }
0x12a: {  	v4 =	vshll.u32 v3, $0x1  }
0x12b: {  	v3 =	vand.u32 $0x7, v3;
	v4 =	vand.u32 $0xFFFFFFF0, v4  }
0x12c: {  	v3 =	vor.u32 v3, v4  }
0x12d: {  	v4 =	vperm.xlane v3, v0;
	_ =	sdelay $0x1  }
0x12e: {  	v3 =	vperm.xlane v3, v2;
	v4 =	vadd.s32 v1, v4  }
0x12f: {  	s21 =	smul.u32 $0x28000, s21  }
0x130: {  	v3 =	vadd.s32 v1, v3  }
0x131: {  	s25 =	ssub.s32 $0x840, s21  }
0x132: {  	s25 =	sshra.s32 s25, $0x2  }
0x133: {  	[tilespmem:s14], [sflag:$0x1] =	stream.indirect_vreg.gather [hbm4b:s5+s3], $0x80, v4, vm0, $0xb8;
	[tilespmem:$0x1E000] =	vst v63  }
0x134: {  	s26 =	simm.s32 $0xA800;
	s25 =	sadd.s32 s25, s17  }
0x135: {  	[tilespmem:s26], [sflag:$0x1] =	stream.indirect_vreg.gather [hbm4b:s5+s3], $0x80, v3, vm0, $0xb8;
	[tilespmem:$0x1E000] =	vst v63  }
0x136: {  	v3 =	vld [tilespmem:s25+$0x0];
	_ =	sdelay $0x4  }
0x137: {  	v60 =	vshll.u32 v3, $0x1  }
0x138: {  	v3 =	vand.u32 $0x7, v3;
	v4 =	vand.u32 $0xFFFFFFF0, v60  }
0x139: {  	v3 =	vor.u32 v3, v4  }
0x13a: {  	v4 =	vperm.xlane v3, v0;
	_ =	sdelay $0x1  }
0x13b: {  	v3 =	vperm.xlane v3, v2;
	v4 =	vadd.s32 v1, v4;
	_ =	sdelay $0x1  }
0x13c: {  	v3 =	vadd.s32 v1, v3  }
0x13d: {  	s25 =	ssub.s32 $0x880, s21  }
0x13e: {  	s26 =	simm.s32 $0xB000;
	s25 =	sshra.s32 s25, $0x2  }
0x13f: {  	[tilespmem:s26], [sflag:$0x1] =	stream.indirect_vreg.gather [hbm4b:s5+s3], $0x80, v4, vm0, $0xb8;
	[tilespmem:$0x1E000] =	vst v63  }
0x140: {  	s25 =	sadd.s32 s25, s17;
	s26 =	simm.s32 $0xB800  }
0x141: {  	[tilespmem:s26], [sflag:$0x1] =	stream.indirect_vreg.gather [hbm4b:s5+s3], $0x80, v3, vm0, $0xb8;
	[tilespmem:$0x1E000] =	vst v63  }
0x142: {  	v3 =	vld [tilespmem:s25+$0x0];
	_ =	sdelay $0x4  }
0x143: {  	v61 =	vshll.u32 v3, $0x1  }
0x144: {  	v3 =	vand.u32 $0x7, v3;
	v4 =	vand.u32 $0xFFFFFFF0, v61  }
0x145: {  	v3 =	vor.u32 v3, v4  }
0x146: {  	v4 =	vperm.xlane v3, v0;
	_ =	sdelay $0x1  }
0x147: {  	v3 =	vperm.xlane v3, v2;
	v4 =	vadd.s32 v1, v4;
	_ =	sdelay $0x1  }
0x148: {  	v3 =	vadd.s32 v1, v3  }
0x149: {  	s21 =	ssub.s32 $0x8C0, s21  }
0x14a: {  	s21 =	sshra.s32 s21, $0x2;
	s25 =	simm.s32 $0xC000  }
0x14b: {  	[tilespmem:s25], [sflag:$0x1] =	stream.indirect_vreg.gather [hbm4b:s5+s3], $0x80, v4, vm0, $0xb8;
	[tilespmem:$0x1E000] =	vst v63  }
0x14c: {  	s21 =	sadd.s32 s21, s17;
	s25 =	simm.s32 $0xC800  }
0x14d: {  	[tilespmem:s25], [sflag:$0x1] =	stream.indirect_vreg.gather [hbm4b:s5+s3], $0x80, v3, vm0, $0xb8;
	[tilespmem:$0x1E000] =	vst v63  }
0x14e: {  	v3 =	vld [tilespmem:s21+$0x0];
	_ =	sdelay $0x4  }
0x14f: {  	v62 =	vshll.u32 v3, $0x1  }
0x150: {  	v3 =	vand.u32 $0x7, v3;
	v4 =	vand.u32 $0xFFFFFFF0, v62  }
0x151: {  	v3 =	vor.u32 v3, v4  }
0x152: {  	v4 =	vperm.xlane v3, v0;
	_ =	sdelay $0x1  }
0x153: {  	v3 =	vperm.xlane v3, v2;
	v4 =	vadd.s32 v1, v4;
	_ =	sdelay $0x1  }
0x154: {  	v3 =	vadd.s32 v1, v3;
	_ =	sdelay $0x1  }
0x155: {  	s25 =	simm.s32 $0xD000;
	s21 =	sor.u32 $0x240, s22  }
0x156: {  	[tilespmem:s25], [sflag:$0x1] =	stream.indirect_vreg.gather [hbm4b:s5+s3], $0x80, v4, vm0, $0xb8;
	[tilespmem:$0x1E000] =	vst v63  }
0x157: {  	s21 =	sadd.s32 s23, s21;
	s25 =	simm.s32 $0xD800  }
0x158: {  	[tilespmem:s25], [sflag:$0x1] =	stream.indirect_vreg.gather [hbm4b:s5+s3], $0x80, v3, vm0, $0xb8;
	[tilespmem:$0x1E000] =	vst v63  }
0x159: {  	v3 =	vld [tilespmem:s21+$0x0];
	_ =	sdelay $0x4  }
0x15a: {  	v63 =	vshll.u32 v3, $0x1  }
0x15b: {  	v3 =	vand.u32 $0x7, v3;
	v4 =	vand.u32 $0xFFFFFFF0, v63  }
0x15c: {  	v3 =	vor.u32 v3, v4  }
0x15d: {  	v4 =	vperm.xlane v3, v0;
	_ =	sdelay $0x1  }
0x15e: {  	v3 =	vperm.xlane v3, v2;
	v4 =	vadd.s32 v1, v4;
	_ =	sdelay $0x1  }
0x15f: {  	v3 =	vadd.s32 v1, v3;
	_ =	sdelay $0x1  }
0x160: {  	s23 =	simm.s32 $0xE000  }
0x161: {  	[tilespmem:s23], [sflag:$0x1] =	stream.indirect_vreg.gather [hbm4b:s5+s3], $0x80, v4, vm0, $0xb8;
	[tilespmem:$0x1E000] =	vst v63  }
0x162: {  	s26 =	simm.s32 $0xF800;
	s25 =	simm.s32 $0xE800  }
0x163: {  	[tilespmem:s25], [sflag:$0x1] =	stream.indirect_vreg.gather [hbm4b:s5+s3], $0x80, v3, vm0, $0xb8;
	[tilespmem:$0x1E000] =	vst v63  }
.LBB2_4:
0x164: {  	_ =	swait.ge [sflag:s6], $0x5000  }
0x165: {  	[sflag:s6] =	ssyncset.done $0x0  }
.Ltmp3:
0x166: {  	[sflag:s6] =	ssyncadd.s32 $0xFFFFB000;
	(pc) =	sbr.rel @p0 .LBB2_6-.Ltmp3, $4  }
0x167: {  	[hbm4b:s18+s3] =	stream.linear.scatter [tilespmem:s20], [sflag:$0x8], $0x5000, $0x38;
	[tilespmem:$0x1E000] =	vst v63  }
0x168: {  	_ =	swait.ge [sflag:s10], $0x5000  }
0x169: {  	[sflag:s10] =	ssyncset.done $0x0  }
0x16a: {  	[sflag:s10] =	ssyncadd.s32 $0xFFFFB000  }
0x16b: {  	s18 =	smulhi.u32 $0xCCCCCCCD, s15;
	_ =	sdelay $0x1  }
0x16c: {  	s18 =	sshrl.u32 s18, $0x8  }
0x16d: {  	s21 =	smul.u32 $0xFFFD8000, s18;
	_ =	sdelay $0x1  }
0x16e: {  	s22 =	sadd.s32 s16, s4;
	s21 =	sshra.s32 s21, $0x2  }
0x16f: {  	s22 =	sshra.s32 s22, $0x2;
	s23 =	sor.u32 $0x280, s21  }
0x170: {  	s23 =	sadd.s32 s22, s23  }
0x171: {  	v3 =	vld [tilespmem:s23+$0x0];
	_ =	sdelay $0x4  }
0x172: {  	v4 =	vshll.u32 v3, $0x1  }
0x173: {  	v3 =	vand.u32 $0x7, v3;
	v4 =	vand.u32 $0xFFFFFFF0, v4  }
0x174: {  	v3 =	vor.u32 v3, v4  }
0x175: {  	v4 =	vperm.xlane v3, v0;
	_ =	sdelay $0x1  }
0x176: {  	v3 =	vperm.xlane v3, v2;
	v4 =	vadd.s32 v1, v4  }
0x177: {  	s18 =	smul.u32 $0x28000, s18  }
0x178: {  	v3 =	vadd.s32 v1, v3  }
0x179: {  	s25 =	ssub.s32 $0xA40, s18  }
0x17a: {  	s23 =	sshra.s32 s25, $0x2  }
0x17b: {  	[tilespmem:s24], [sflag:$0x2] =	stream.indirect_vreg.gather [hbm4b:s5+s3], $0x80, v4, vm0, $0xb8;
	[tilespmem:$0x1E000] =	vst v63  }
0x17c: {  	s23 =	sadd.s32 s23, s17  }
0x17d: {  	[tilespmem:s26], [sflag:$0x2] =	stream.indirect_vreg.gather [hbm4b:s5+s3], $0x80, v3, vm0, $0xb8;
	[tilespmem:$0x1E000] =	vst v63  }
0x17e: {  	v3 =	vld [tilespmem:s23+$0x0];
	_ =	sdelay $0x4  }
0x17f: {  	v60 =	vshll.u32 v3, $0x1  }
0x180: {  	v3 =	vand.u32 $0x7, v3;
	v4 =	vand.u32 $0xFFFFFFF0, v60  }
0x181: {  	v3 =	vor.u32 v3, v4  }
0x182: {  	v4 =	vperm.xlane v3, v0;
	_ =	sdelay $0x1  }
0x183: {  	v3 =	vperm.xlane v3, v2;
	v4 =	vadd.s32 v1, v4;
	_ =	sdelay $0x1  }
0x184: {  	v3 =	vadd.s32 v1, v3  }
0x185: {  	s23 =	ssub.s32 $0xA80, s18  }
0x186: {  	s25 =	simm.s32 $0x10000;
	s23 =	sshra.s32 s23, $0x2  }
0x187: {  	[tilespmem:s25], [sflag:$0x2] =	stream.indirect_vreg.gather [hbm4b:s5+s3], $0x80, v4, vm0, $0xb8;
	[tilespmem:$0x1E000] =	vst v63  }
0x188: {  	s23 =	sadd.s32 s23, s17;
	s25 =	simm.s32 $0x10800  }
0x189: {  	[tilespmem:s25], [sflag:$0x2] =	stream.indirect_vreg.gather [hbm4b:s5+s3], $0x80, v3, vm0, $0xb8;
	[tilespmem:$0x1E000] =	vst v63  }
0x18a: {  	v3 =	vld [tilespmem:s23+$0x0];
	_ =	sdelay $0x4  }
0x18b: {  	v61 =	vshll.u32 v3, $0x1  }
0x18c: {  	v3 =	vand.u32 $0x7, v3;
	v4 =	vand.u32 $0xFFFFFFF0, v61  }
0x18d: {  	v3 =	vor.u32 v3, v4  }
0x18e: {  	v4 =	vperm.xlane v3, v0;
	_ =	sdelay $0x1  }
0x18f: {  	v3 =	vperm.xlane v3, v2;
	v4 =	vadd.s32 v1, v4;
	_ =	sdelay $0x1  }
0x190: {  	v3 =	vadd.s32 v1, v3  }
0x191: {  	s18 =	ssub.s32 $0xAC0, s18  }
0x192: {  	s18 =	sshra.s32 s18, $0x2;
	s25 =	simm.s32 $0x11000  }
0x193: {  	[tilespmem:s25], [sflag:$0x2] =	stream.indirect_vreg.gather [hbm4b:s5+s3], $0x80, v4, vm0, $0xb8;
	[tilespmem:$0x1E000] =	vst v63  }
0x194: {  	s18 =	sadd.s32 s18, s17;
	s25 =	simm.s32 $0x11800  }
0x195: {  	[tilespmem:s25], [sflag:$0x2] =	stream.indirect_vreg.gather [hbm4b:s5+s3], $0x80, v3, vm0, $0xb8;
	[tilespmem:$0x1E000] =	vst v63  }
0x196: {  	v3 =	vld [tilespmem:s18+$0x0];
	_ =	sdelay $0x4  }
0x197: {  	v62 =	vshll.u32 v3, $0x1  }
0x198: {  	v3 =	vand.u32 $0x7, v3;
	v4 =	vand.u32 $0xFFFFFFF0, v62  }
0x199: {  	v3 =	vor.u32 v3, v4  }
0x19a: {  	v4 =	vperm.xlane v3, v0;
	_ =	sdelay $0x1  }
0x19b: {  	v3 =	vperm.xlane v3, v2;
	v4 =	vadd.s32 v1, v4;
	_ =	sdelay $0x1  }
0x19c: {  	v3 =	vadd.s32 v1, v3;
	_ =	sdelay $0x1  }
0x19d: {  	s23 =	simm.s32 $0x12000;
	s25 =	sor.u32 $0x2C0, s21  }
0x19e: {  	[tilespmem:s23], [sflag:$0x2] =	stream.indirect_vreg.gather [hbm4b:s5+s3], $0x80, v4, vm0, $0xb8;
	[tilespmem:$0x1E000] =	vst v63  }
0x19f: {  	s21 =	simm.s32 $0x12800;
	s17 =	sadd.s32 s22, s25  }
0x1a0: {  	[tilespmem:s21], [sflag:$0x2] =	stream.indirect_vreg.gather [hbm4b:s5+s3], $0x80, v3, vm0, $0xb8;
	[tilespmem:$0x1E000] =	vst v63  }
0x1a1: {  	v3 =	vld [tilespmem:s17+$0x0];
	_ =	sdelay $0x4  }
0x1a2: {  	v63 =	vshll.u32 v3, $0x1  }
0x1a3: {  	v3 =	vand.u32 $0x7, v3;
	v4 =	vand.u32 $0xFFFFFFF0, v63  }
0x1a4: {  	v3 =	vor.u32 v3, v4  }
0x1a5: {  	v4 =	vperm.xlane v3, v0;
	_ =	sdelay $0x1  }
0x1a6: {  	v3 =	vperm.xlane v3, v2;
	v4 =	vadd.s32 v1, v4;
	_ =	sdelay $0x1  }
0x1a7: {  	v3 =	vadd.s32 v1, v3  }
.Ltmp4:
0x1a8: {  	s16 =	sadd.s32 $0x800, s16;
	s15 =	sadd.s32 $0x4, s15;
	(pc) =	sbr.rel .LBB2_2-.Ltmp4, $4  }
0x1a9: {  	s13 =	sadd.s32 $0x4, s13;
	s2 =	sadd.s32 $0x2800, s2;
	s23 =	simm.s32 $0x13000  }
0x1aa: {  	[tilespmem:s23], [sflag:$0x2] =	stream.indirect_vreg.gather [hbm4b:s5+s3], $0x80, v4, vm0, $0xb8;
	[tilespmem:$0x1E000] =	vst v63  }
0x1ab: {  	s12 =	sadd.s32 $0x4, s12;
	s11 =	sadd.s32 $0x2800, s11;
	s25 =	simm.s32 $0x13800  }
0x1ac: {  	[tilespmem:s25], [sflag:$0x2] =	stream.indirect_vreg.gather [hbm4b:s5+s3], $0x80, v3, vm0, $0xb8;
	[tilespmem:$0x1E000] =	vst v63  }
.LBB2_7:
0x1ad: {  	_ =	sfence.sel $0x180000  }
0x1ae: {  	[bflag:$0x0] =	sbarrier.arrive $0xFFFF  }
0x1af: {  	_ =	strace $0x90000047  }
0x1b0: {  	s0 =	stileid.u32;
	[bflag:$0x2] =	sbarrier.arrive $0xFFFF  }
0x1b1: {  	p0 =	sne.s32 s0, $0x0;
	s0 =	rddreg [dreg:$0x2]  }
0x1b2: {  	s0 =	sadd.s32 @!p0 $0x100000, s0  }
0x1b3: {  	[sflag:s0] =	ssyncadd.tile.s32 @!p0 $0x1;
	_ =	shalt  }
.Lfunc_end2:
_tile_overlayer_lowered:
.L_overlay_start_2:
0x1b4: {  	(tag) =	ssettag $0x2  }
0x1b5: {  	s0 =	rddreg [dreg:$0x0];
	s2 =	stileid.u32  }
0x1b6: {  	s1 =	rddreg [dreg:$0x1];
	p0 =	sne.s32 s2, $0x0  }
0x1b7: {  	s3 =	rddreg [dreg:$0x2];
	[bflag:$0x3] =	sbarrier.arrive $0xFFFF;
	s2 =	simm.s32 @!p0 $0x1C09  }
0x1b8: {  	[timem:s3], [sflag:s2] =	dma.local @!p0 [hbm:s0], s1  }
0x1b9: {  	s0 =	simm.s32 @!p0 $0x9  }
0x1ba: {  	_ =	swait.ge @!p0 [sflag:s0], s1  }
0x1bb: {  	s1 =	ssub.s32 @!p0 $0x0, s1;
	[sflag:s0] =	ssyncset.done @!p0 $0x0  }
0x1bc: {  	[sflag:s0] =	ssyncadd.s32 @!p0 s1  }
0x1bd: {  	[bflag:$0x3] =	sbarrier.arrive $0xFFFF  }
0x1be: {  	_ =	shalt  }

</sc_bundles>
